<compile_context>
chip_gen: v7x
topology: tpu7x:2x2x1
jax: 0.10.2.dev20260603
libtpu: 0.0.44.dev20260713+nightly
codegen_flags: <defaults>
</compile_context>

<pallas_src>
import functools

import jax
import jax.numpy as jnp
from jax.experimental import pallas as pl
from jax.experimental.pallas import tpu as pltpu
from jax.experimental.pallas import tpu_sc as plsc

B = 8
C = 32
T = 48 * 48
K = 9
KPAD = 16

R = 768
NT = T // R

NC = 2
NS = 16
NW = NC * NS
CH = 96


def _topk_body(xf_ref, xr_ref, idx_ref, xt_ref):
    b = pl.program_id(0)
    xfb = xf_ref[0]
    norm = jnp.sqrt(jnp.sum(xfb * xfb, axis=0, keepdims=True))
    xn = xfb / jnp.maximum(norm, 1e-12)
    rows = xr_ref[0]
    norm_r = jnp.sqrt(jnp.sum(rows * rows, axis=0, keepdims=True))
    rows_n = rows / jnp.maximum(norm_r, 1e-12)
    xt_ref[0] = rows.T

    sim = jax.lax.dot_general(
        xn, rows_n, (((0,), (0,)), ((), ())),
        preferred_element_type=jnp.float32)
    sim = jnp.clip(sim, -1.0, 1.0)

    iota_i = jax.lax.broadcasted_iota(jnp.int32, (3, T), 1)
    row_id = jax.lax.broadcasted_iota(jnp.int32, (3, T), 0)
    lhs3 = jnp.where(
        row_id == 0, iota_i // 256,
        jnp.where(row_id == 1, iota_i % 256, 1)).astype(jnp.bfloat16)

    sim0 = sim
    m = jnp.max(sim, axis=0, keepdims=True)
    picks = []
    tied = False
    for k in range(K):
        ge = sim >= m
        gef = jnp.where(ge, 1.0, 0.0).astype(jnp.bfloat16)
        ms = jax.lax.dot_general(
            lhs3, gef, (((1,), (0,)), ((), ())),
            preferred_element_type=jnp.float32)
        tied = jnp.logical_or(tied, jnp.max(ms[2:3]) > 1.5)
        ikf = (ms[0:1] * 256.0 + ms[1:2]) / ms[2:3]
        ik = jnp.clip((ikf + 0.5).astype(jnp.int32), 0, T - 1)
        picks.append(ik)
        if k < K - 1:
            sim = jnp.where(ge, -3.0, sim)
            m = jnp.max(sim, axis=0, keepdims=True)
    idx = jnp.concatenate(picks + [jnp.zeros((KPAD - K, R), jnp.int32)], axis=0)
    idx_ref[0] = idx + b * T

    @pl.when(tied)
    def _():
        iota = jax.lax.broadcasted_iota(jnp.int32, (T, R), 0)
        s2 = sim0
        for k in range(K):
            m2 = jnp.max(s2, axis=0, keepdims=True)
            cand = jnp.where(s2 >= m2, iota, T)
            ik2 = jnp.min(cand, axis=0, keepdims=True)
            idx_ref[0, pl.ds(k, 1), :] = ik2 + b * T
            if k < K - 1:
                s2 = jnp.where(iota == ik2, -3.0, s2)


@functools.cache
def _make_topk_call(bc):
    return pl.pallas_call(
        _topk_body,
        grid=(bc, NT),
        in_specs=[pl.BlockSpec((1, C, T), lambda b, rt: (b, 0, 0)),
                  pl.BlockSpec((1, C, R), lambda b, rt: (b, 0, rt))],
        out_specs=[
            pl.BlockSpec((1, KPAD, R), lambda b, rt: (b, 0, rt)),
            pl.BlockSpec((1, R, C), lambda b, rt: (b, rt, 0)),
        ],
        out_shape=[
            jax.ShapeDtypeStruct((bc, KPAD, T), jnp.int32),
            jax.ShapeDtypeStruct((bc, T, C), jnp.float32),
        ],
    )


NBUF = 3


def _gather_body(nch, tab_ref, idx_ref, out_ref, idx_v,
                 rows0, rows1, rows2, sem0, sem1, sem2):
    per_w = nch * CH
    c = jax.lax.axis_index("c")
    s = jax.lax.axis_index("s")
    wid = s * NC + c
    base = wid * per_w
    rows = (rows0, rows1, rows2)
    sems = (sem0, sem1, sem2)
    pltpu.sync_copy(idx_ref.at[wid], idx_v)

    for u in range(NBUF):
        pltpu.async_copy(tab_ref.at[idx_v.at[u]], rows[u], sems[u])

    def chunk(i, carry):
        for u in range(NBUF):
            j = NBUF * i + u
            pltpu.make_async_copy(tab_ref.at[idx_v.at[j]],
                                  rows[u], sems[u]).wait()
            pltpu.sync_copy(rows[u], out_ref.at[pl.ds(base + j * CH, CH)])

            @pl.when(j + NBUF < nch)
            def _(u=u, j=j):
                pltpu.async_copy(tab_ref.at[idx_v.at[j + NBUF]],
                                 rows[u], sems[u])
        return carry

    jax.lax.fori_loop(0, nch // NBUF, chunk, 0)


@functools.cache
def _make_gather_call(bc):
    ntot = bc * T * K
    nch = ntot // (NW * CH)
    assert nch % NBUF == 0
    return pl.kernel(
        functools.partial(_gather_body, nch),
        out_type=jax.ShapeDtypeStruct((ntot, C), jnp.float32),
        mesh=plsc.VectorSubcoreMesh(core_axis_name="c", subcore_axis_name="s",
                                    num_cores=NC, num_subcores=NS),
        scratch_types=[
            pltpu.VMEM((nch, CH), jnp.int32),
            pltpu.VMEM((CH, C), jnp.float32),
            pltpu.VMEM((CH, C), jnp.float32),
            pltpu.VMEM((CH, C), jnp.float32),
            pltpu.SemaphoreType.DMA,
            pltpu.SemaphoreType.DMA,
            pltpu.SemaphoreType.DMA,
        ],
        compiler_params=pltpu.CompilerParams(use_tc_tiling_on_sc=False),
    )


def _conv_body(p_ref, w_ref, b_ref, o_ref):
    k = pl.program_id(1)
    contrib = jax.lax.dot_general(
        w_ref[0], p_ref[0], (((1,), (1,)), ((), ())),
        preferred_element_type=jnp.float32)

    @pl.when(k == 0)
    def _():
        o_ref[0] = contrib + b_ref[...]

    @pl.when(k != 0)
    def _():
        o_ref[0] = o_ref[0] + contrib


@functools.cache
def _make_conv_call(bc):
    return pl.pallas_call(
        _conv_body,
        grid=(bc, K),
        in_specs=[
            pl.BlockSpec((1, T, C), lambda b, k: (b * K + k, 0, 0)),
            pl.BlockSpec((1, C, C), lambda b, k: (k, 0, 0)),
            pl.BlockSpec((C, 1), lambda b, k: (0, 0)),
        ],
        out_specs=pl.BlockSpec((1, C, T), lambda b, k: (b, 0, 0)),
        out_shape=jax.ShapeDtypeStruct((bc, C, T), jnp.float32),
    )


def _chunk_pipeline(xf, w9, bias, bc):
    ntot = bc * T * K
    nch = ntot // (NW * CH)
    idx_g, xt = _make_topk_call(bc)(xf, xf)
    idx3 = idx_g[:, :K, :].reshape(NW, nch, CH)
    prime = _make_gather_call(bc)(xt.reshape(bc * T, C), idx3)
    p3 = prime.reshape(bc * K, T, C)
    return _make_conv_call(bc)(p3, w9, bias)


def kernel(x, W, b):
    xf = x.reshape(B, C, T)
    w9 = W.transpose(2, 0, 1)
    bias = b.reshape(C, 1)
    half = B // 2
    out0 = _chunk_pipeline(xf[:half], w9, bias, half)
    out1 = _chunk_pipeline(xf[half:], w9, bias, half)
    return jnp.concatenate([out0, out1], axis=0).reshape(B, C, 48, 48)

# --- scband reference (transcript-rebuilt; emitter-appended) ---
"""Pipeline reference for scband-conv2d-nn-1494648619730 (READ-ONLY COPY).

The authoritative reference and input builder live on the scoring server;
editing this copy changes nothing except your own understanding.
"""

import jax, jax.numpy as jnp
import numpy as np

K = 9

def setup_inputs(seed: int = 0) -> dict:
    key = jax.random.key(seed)
    k1, k2, k3 = jax.random.split(key, 3)
    x = jax.random.normal(k1, (8, 32, 48, 48), dtype=jnp.float32)
    # Conv1d weights: [out_channels, in_channels, K]
    W = jax.random.normal(k2, (32, 32, K), dtype=jnp.float32) * (1.0 / np.sqrt(32 * K))
    b = jax.random.normal(k3, (32,), dtype=jnp.float32) * 0.01
    return {"x": x, "W": W, "b": b}

def reference(x, W, b):
    # sampling_type='all', magnitude_type='similarity', shuffle_pattern='NA', coordinate_encoding=False
    B, C, H, Wd = x.shape
    T = H * Wd
    xf = x.reshape(B, C, T)
    # cosine similarity matrix (F.normalize with eps=1e-12 then bmm)
    norm = jnp.sqrt(jnp.sum(xf * xf, axis=1, keepdims=True))
    xn = xf / jnp.maximum(norm, 1e-12)
    sim = jnp.einsum('bct,bcs->bts', xn, xn)
    sim = jnp.clip(sim, -1.0, 1.0)
    # top-K most similar tokens per query token (largest=True since similarity)
    _, idx = jax.lax.top_k(sim, K)  # [B, T, K]
    # gather neighbor features: prime[b,c,t,k] = xf[b,c,idx[b,t,k]]
    prime = jnp.take_along_axis(xf[:, :, None, :], idx[:, None, :, :], axis=3)  # [B, C, T, K]
    prime = prime.reshape(B, C, T * K)
    # Conv1d kernel=K stride=K padding=0 -> T output positions
    out = jax.lax.conv_general_dilated(prime, W, window_strides=(K,), padding='VALID',
                                       dimension_numbers=('NCH', 'OIH', 'NCH'))
    out = out + b[None, :, None]
    return out.reshape(B, W.shape[0], H, Wd)

if __name__ == "__main__":
    import jax
    _d = setup_inputs()
    print(jax.jit(kernel)(*tuple(_d.values())))

</pallas_src>

<mosaic_0001>
#map = affine_map<(d0, d1) -> (0, 0)>
#map1 = affine_map<(d0, d1) -> (0, 0, 0)>
module attributes {stable_mosaic.version = 14 : i64} {
  func.func @_gather_body(%arg0: i32, %arg1: i32, %arg2: memref<9216x32xf32, #tpu.memory_space<hbm>>, %arg3: memref<32x27x96xi32, #tpu.memory_space<hbm>>, %arg4: memref<82944x32xf32, #tpu.memory_space<hbm>>, %arg5: memref<27x96xi32, #tpu.memory_space<vmem>>, %arg6: memref<96x32xf32, #tpu.memory_space<vmem>>, %arg7: memref<96x32xf32, #tpu.memory_space<vmem>>, %arg8: memref<96x32xf32, #tpu.memory_space<vmem>>, %arg9: memref<!tpu.dma_semaphore, #tpu.memory_space<semaphore_mem>>, %arg10: memref<!tpu.dma_semaphore, #tpu.memory_space<semaphore_mem>>, %arg11: memref<!tpu.dma_semaphore, #tpu.memory_space<semaphore_mem>>) attributes {dimension_semantics = [#tpu.dimension_semantics<core_parallel>, #tpu.dimension_semantics<subcore_parallel>], iteration_bounds = array<i64: 2, 16>, scalar_prefetch = 0 : i64, scratch_operands = 7 : i64, tpu.core_type = #tpu.core_type<sc_vector_subcore>, window_params = [{transform_indices = #map}, {transform_indices = #map1}, {transform_indices = #map}]} {
    %mul3A = arith.constant 2 : i32
    %mul3A_0 = arith.muli %arg1, %mul3A : i32
    %add3A = arith.addi %mul3A_0, %arg0 : i32
    %mul3A_1 = arith.constant 2592 : i32
    %mul3A_2 = arith.muli %add3A, %mul3A_1 : i32
    "tpu.region"() ({
      %run_scoped3A = tpu.sem_alloc : memref<!tpu.dma_semaphore, #tpu.memory_space<semaphore_mem>>
      %dma_start3A_28 = arith.constant 0 : i32
      %dma_start3A_29 = arith.constant 0 : i32
      %dma_start3A_30 = tpu.memref_slice %arg3[%add3A, %dma_start3A_28, %dma_start3A_29] : memref<32x27x96xi32, #tpu.memory_space<hbm>> -> memref<1x27x96xi32, #tpu.memory_space<hbm>>
      %dma_start3A_31 = tpu.memref_squeeze %dma_start3A_30 : memref<1x27x96xi32, #tpu.memory_space<hbm>> -> memref<27x96xi32, #tpu.memory_space<hbm>>
      %dma_start3A_32 = arith.constant 0 : i32
      %dma_start3A_33 = arith.constant 0 : i32
      %dma_start3A_34 = tpu.memref_slice %arg3[%add3A, %dma_start3A_32, %dma_start3A_33] : memref<32x27x96xi32, #tpu.memory_space<hbm>> -> memref<1x27x96xi32, #tpu.memory_space<hbm>>
      %dma_start3A_35 = tpu.memref_squeeze %dma_start3A_34 : memref<1x27x96xi32, #tpu.memory_space<hbm>> -> memref<27x96xi32, #tpu.memory_space<hbm>>
      tpu.enqueue_dma source(%dma_start3A_35 : memref<27x96xi32, #tpu.memory_space<hbm>>) target(%arg5 : memref<27x96xi32, #tpu.memory_space<vmem>>) target_semaphore(%run_scoped3A : memref<!tpu.dma_semaphore, #tpu.memory_space<semaphore_mem>>)
      %dma_wait3A = arith.constant 0 : i32
      %dma_wait3A_36 = arith.constant 0 : i32
      %dma_wait3A_37 = tpu.memref_slice %arg3[%add3A, %dma_wait3A, %dma_wait3A_36] : memref<32x27x96xi32, #tpu.memory_space<hbm>> -> memref<1x27x96xi32, #tpu.memory_space<hbm>>
      %dma_wait3A_38 = tpu.memref_squeeze %dma_wait3A_37 : memref<1x27x96xi32, #tpu.memory_space<hbm>> -> memref<27x96xi32, #tpu.memory_space<hbm>>
      %dma_wait3A_39 = arith.constant 0 : i32
      %dma_wait3A_40 = arith.constant 0 : i32
      %dma_wait3A_41 = tpu.memref_slice %arg3[%add3A, %dma_wait3A_39, %dma_wait3A_40] : memref<32x27x96xi32, #tpu.memory_space<hbm>> -> memref<1x27x96xi32, #tpu.memory_space<hbm>>
      %dma_wait3A_42 = tpu.memref_squeeze %dma_wait3A_41 : memref<1x27x96xi32, #tpu.memory_space<hbm>> -> memref<27x96xi32, #tpu.memory_space<hbm>>
      tpu.wait_dma2 semaphore(%run_scoped3A : memref<!tpu.dma_semaphore, #tpu.memory_space<semaphore_mem>>) src(%dma_wait3A_42 : memref<27x96xi32, #tpu.memory_space<hbm>>) dst(%arg5 : memref<27x96xi32, #tpu.memory_space<vmem>>)
      tpu.yield
    }) : () -> ()
    %dma_start3A = arith.constant 0 : i32
    %dma_start3A_3 = arith.constant 0 : i32
    %dma_start3A_4 = tpu.memref_slice %arg5[%dma_start3A, %dma_start3A_3] : memref<27x96xi32, #tpu.memory_space<vmem>> -> memref<1x96xi32, #tpu.memory_space<vmem>>
    %dma_start3A_5 = tpu.memref_squeeze %dma_start3A_4 : memref<1x96xi32, #tpu.memory_space<vmem>> -> memref<96xi32, #tpu.memory_space<vmem>>
    %dma_start3A_6 = arith.constant 0 : i32
    %dma_start3A_7 = arith.constant 0 : i32
    %dma_start3A_8 = tpu.memref_slice %arg2[%dma_start3A_6, %dma_start3A_7] : memref<9216x32xf32, #tpu.memory_space<hbm>> -> memref<9216x32xf32, #tpu.memory_space<hbm>>
    tpu.enqueue_indirect_dma source(%dma_start3A_8 : memref<9216x32xf32, #tpu.memory_space<hbm>>) target(%arg6 : memref<96x32xf32, #tpu.memory_space<vmem>>) offsets(%dma_start3A_5 : memref<96xi32, #tpu.memory_space<vmem>>) semaphore(%arg9 : memref<!tpu.dma_semaphore, #tpu.memory_space<semaphore_mem>>)
    %dma_start3A_9 = arith.constant 1 : i32
    %dma_start3A_10 = arith.constant 0 : i32
    %dma_start3A_11 = tpu.memref_slice %arg5[%dma_start3A_9, %dma_start3A_10] : memref<27x96xi32, #tpu.memory_space<vmem>> -> memref<1x96xi32, #tpu.memory_space<vmem>>
    %dma_start3A_12 = tpu.memref_squeeze %dma_start3A_11 : memref<1x96xi32, #tpu.memory_space<vmem>> -> memref<96xi32, #tpu.memory_space<vmem>>
    %dma_start3A_13 = arith.constant 0 : i32
    %dma_start3A_14 = arith.constant 0 : i32
    %dma_start3A_15 = tpu.memref_slice %arg2[%dma_start3A_13, %dma_start3A_14] : memref<9216x32xf32, #tpu.memory_space<hbm>> -> memref<9216x32xf32, #tpu.memory_space<hbm>>
    tpu.enqueue_indirect_dma source(%dma_start3A_15 : memref<9216x32xf32, #tpu.memory_space<hbm>>) target(%arg7 : memref<96x32xf32, #tpu.memory_space<vmem>>) offsets(%dma_start3A_12 : memref<96xi32, #tpu.memory_space<vmem>>) semaphore(%arg10 : memref<!tpu.dma_semaphore, #tpu.memory_space<semaphore_mem>>)
    %dma_start3A_16 = arith.constant 2 : i32
    %dma_start3A_17 = arith.constant 0 : i32
    %dma_start3A_18 = tpu.memref_slice %arg5[%dma_start3A_16, %dma_start3A_17] : memref<27x96xi32, #tpu.memory_space<vmem>> -> memref<1x96xi32, #tpu.memory_space<vmem>>
    %dma_start3A_19 = tpu.memref_squeeze %dma_start3A_18 : memref<1x96xi32, #tpu.memory_space<vmem>> -> memref<96xi32, #tpu.memory_space<vmem>>
    %dma_start3A_20 = arith.constant 0 : i32
    %dma_start3A_21 = arith.constant 0 : i32
    %dma_start3A_22 = tpu.memref_slice %arg2[%dma_start3A_20, %dma_start3A_21] : memref<9216x32xf32, #tpu.memory_space<hbm>> -> memref<9216x32xf32, #tpu.memory_space<hbm>>
    tpu.enqueue_indirect_dma source(%dma_start3A_22 : memref<9216x32xf32, #tpu.memory_space<hbm>>) target(%arg8 : memref<96x32xf32, #tpu.memory_space<vmem>>) offsets(%dma_start3A_19 : memref<96xi32, #tpu.memory_space<vmem>>) semaphore(%arg11 : memref<!tpu.dma_semaphore, #tpu.memory_space<semaphore_mem>>)
    %scan3A = arith.constant 0 : i32
    %scan3A_23 = arith.constant 0 : i32
    %scan3A_24 = arith.constant 9 : i32
    %scan3A_25 = arith.addi %scan3A_23, %scan3A_24 : i32
    %scan3A_26 = arith.constant 1 : i32
    scf.for %scan3A_28 = %scan3A_23 to %scan3A_25 step %scan3A_26  : i32 {
      %mul3A_29 = arith.constant 3 : i32
      %mul3A_30 = arith.muli %mul3A_29, %scan3A_28 : i32
      %add3A_31 = arith.constant 0 : i32
      %add3A_32 = arith.addi %mul3A_30, %add3A_31 : i32
      %dma_wait3A = arith.constant 0 : i32
      %dma_wait3A_33 = tpu.memref_slice %arg5[%add3A_32, %dma_wait3A] : memref<27x96xi32, #tpu.memory_space<vmem>> -> memref<1x96xi32, #tpu.memory_space<vmem>>
      %dma_wait3A_34 = tpu.memref_squeeze %dma_wait3A_33 : memref<1x96xi32, #tpu.memory_space<vmem>> -> memref<96xi32, #tpu.memory_space<vmem>>
      %dma_wait3A_35 = arith.constant 0 : i32
      %dma_wait3A_36 = arith.constant 0 : i32
      %dma_wait3A_37 = tpu.memref_slice %arg2[%dma_wait3A_35, %dma_wait3A_36] : memref<9216x32xf32, #tpu.memory_space<hbm>> -> memref<9216x32xf32, #tpu.memory_space<hbm>>
      tpu.wait_indirect_dma semaphore(%arg9 : memref<!tpu.dma_semaphore, #tpu.memory_space<semaphore_mem>>) src(%dma_wait3A_37 : memref<9216x32xf32, #tpu.memory_space<hbm>>) dst(%arg6 : memref<96x32xf32, #tpu.memory_space<vmem>>)
      %mul3A_38 = arith.constant 96 : i32
      %mul3A_39 = arith.muli %add3A_32, %mul3A_38 : i32
      %add3A_40 = arith.addi %mul3A_2, %mul3A_39 : i32
      "tpu.region"() ({
        %run_scoped3A = tpu.sem_alloc : memref<!tpu.dma_semaphore, #tpu.memory_space<semaphore_mem>>
        %dma_start3A_85 = arith.constant 0 : i32
        %dma_start3A_86 = tpu.memref_slice %arg4[%add3A_40, %dma_start3A_85] : memref<82944x32xf32, #tpu.memory_space<hbm>> -> memref<96x32xf32, #tpu.memory_space<hbm>>
        %dma_start3A_87 = arith.constant 0 : i32
        %dma_start3A_88 = tpu.memref_slice %arg4[%add3A_40, %dma_start3A_87] : memref<82944x32xf32, #tpu.memory_space<hbm>> -> memref<96x32xf32, #tpu.memory_space<hbm>>
        tpu.enqueue_dma source(%arg6 : memref<96x32xf32, #tpu.memory_space<vmem>>) target(%dma_start3A_88 : memref<96x32xf32, #tpu.memory_space<hbm>>) target_semaphore(%run_scoped3A : memref<!tpu.dma_semaphore, #tpu.memory_space<semaphore_mem>>)
        %dma_wait3A_89 = arith.constant 0 : i32
        %dma_wait3A_90 = tpu.memref_slice %arg4[%add3A_40, %dma_wait3A_89] : memref<82944x32xf32, #tpu.memory_space<hbm>> -> memref<96x32xf32, #tpu.memory_space<hbm>>
        %dma_wait3A_91 = arith.constant 0 : i32
        %dma_wait3A_92 = tpu.memref_slice %arg4[%add3A_40, %dma_wait3A_91] : memref<82944x32xf32, #tpu.memory_space<hbm>> -> memref<96x32xf32, #tpu.memory_space<hbm>>
        tpu.wait_dma2 semaphore(%run_scoped3A : memref<!tpu.dma_semaphore, #tpu.memory_space<semaphore_mem>>) src(%arg6 : memref<96x32xf32, #tpu.memory_space<vmem>>) dst(%dma_wait3A_92 : memref<96x32xf32, #tpu.memory_space<hbm>>)
        tpu.yield
      }) : () -> ()
      %add3A_41 = arith.constant 3 : i32
      %add3A_42 = arith.addi %add3A_32, %add3A_41 : i32
      %lt3A = arith.constant 27 : i32
      %lt3A_43 = arith.cmpi slt, %add3A_42, %lt3A : i32
      %convert_element_type3A = arith.extui %lt3A_43 : i1 to i32
      %cond3A = arith.constant 0 : i32
      %cond3A_44 = arith.cmpi ne, %convert_element_type3A, %cond3A : i32
      scf.if %cond3A_44 {
        %add3A_85 = arith.constant 3 : i32
        %add3A_86 = arith.addi %add3A_32, %add3A_85 : i32
        %dma_start3A_87 = arith.constant 0 : i32
        %dma_start3A_88 = tpu.memref_slice %arg5[%add3A_86, %dma_start3A_87] : memref<27x96xi32, #tpu.memory_space<vmem>> -> memref<1x96xi32, #tpu.memory_space<vmem>>
        %dma_start3A_89 = tpu.memref_squeeze %dma_start3A_88 : memref<1x96xi32, #tpu.memory_space<vmem>> -> memref<96xi32, #tpu.memory_space<vmem>>
        %dma_start3A_90 = arith.constant 0 : i32
        %dma_start3A_91 = arith.constant 0 : i32
        %dma_start3A_92 = tpu.memref_slice %arg2[%dma_start3A_90, %dma_start3A_91] : memref<9216x32xf32, #tpu.memory_space<hbm>> -> memref<9216x32xf32, #tpu.memory_space<hbm>>
        tpu.enqueue_indirect_dma source(%dma_start3A_92 : memref<9216x32xf32, #tpu.memory_space<hbm>>) target(%arg6 : memref<96x32xf32, #tpu.memory_space<vmem>>) offsets(%dma_start3A_89 : memref<96xi32, #tpu.memory_space<vmem>>) semaphore(%arg9 : memref<!tpu.dma_semaphore, #tpu.memory_space<semaphore_mem>>)
      } else {
      }
      %mul3A_45 = arith.constant 3 : i32
      %mul3A_46 = arith.muli %mul3A_45, %scan3A_28 : i32
      %add3A_47 = arith.constant 1 : i32
      %add3A_48 = arith.addi %mul3A_46, %add3A_47 : i32
      %dma_wait3A_49 = arith.constant 0 : i32
      %dma_wait3A_50 = tpu.memref_slice %arg5[%add3A_48, %dma_wait3A_49] : memref<27x96xi32, #tpu.memory_space<vmem>> -> memref<1x96xi32, #tpu.memory_space<vmem>>
      %dma_wait3A_51 = tpu.memref_squeeze %dma_wait3A_50 : memref<1x96xi32, #tpu.memory_space<vmem>> -> memref<96xi32, #tpu.memory_space<vmem>>
      %dma_wait3A_52 = arith.constant 0 : i32
      %dma_wait3A_53 = arith.constant 0 : i32
      %dma_wait3A_54 = tpu.memref_slice %arg2[%dma_wait3A_52, %dma_wait3A_53] : memref<9216x32xf32, #tpu.memory_space<hbm>> -> memref<9216x32xf32, #tpu.memory_space<hbm>>
      tpu.wait_indirect_dma semaphore(%arg10 : memref<!tpu.dma_semaphore, #tpu.memory_space<semaphore_mem>>) src(%dma_wait3A_54 : memref<9216x32xf32, #tpu.memory_space<hbm>>) dst(%arg7 : memref<96x32xf32, #tpu.memory_space<vmem>>)
      %mul3A_55 = arith.constant 96 : i32
      %mul3A_56 = arith.muli %add3A_48, %mul3A_55 : i32
      %add3A_57 = arith.addi %mul3A_2, %mul3A_56 : i32
      "tpu.region"() ({
        %run_scoped3A = tpu.sem_alloc : memref<!tpu.dma_semaphore, #tpu.memory_space<semaphore_mem>>
        %dma_start3A_85 = arith.constant 0 : i32
        %dma_start3A_86 = tpu.memref_slice %arg4[%add3A_57, %dma_start3A_85] : memref<82944x32xf32, #tpu.memory_space<hbm>> -> memref<96x32xf32, #tpu.memory_space<hbm>>
        %dma_start3A_87 = arith.constant 0 : i32
        %dma_start3A_88 = tpu.memref_slice %arg4[%add3A_57, %dma_start3A_87] : memref<82944x32xf32, #tpu.memory_space<hbm>> -> memref<96x32xf32, #tpu.memory_space<hbm>>
        tpu.enqueue_dma source(%arg7 : memref<96x32xf32, #tpu.memory_space<vmem>>) target(%dma_start3A_88 : memref<96x32xf32, #tpu.memory_space<hbm>>) target_semaphore(%run_scoped3A : memref<!tpu.dma_semaphore, #tpu.memory_space<semaphore_mem>>)
        %dma_wait3A_89 = arith.constant 0 : i32
        %dma_wait3A_90 = tpu.memref_slice %arg4[%add3A_57, %dma_wait3A_89] : memref<82944x32xf32, #tpu.memory_space<hbm>> -> memref<96x32xf32, #tpu.memory_space<hbm>>
        %dma_wait3A_91 = arith.constant 0 : i32
        %dma_wait3A_92 = tpu.memref_slice %arg4[%add3A_57, %dma_wait3A_91] : memref<82944x32xf32, #tpu.memory_space<hbm>> -> memref<96x32xf32, #tpu.memory_space<hbm>>
        tpu.wait_dma2 semaphore(%run_scoped3A : memref<!tpu.dma_semaphore, #tpu.memory_space<semaphore_mem>>) src(%arg7 : memref<96x32xf32, #tpu.memory_space<vmem>>) dst(%dma_wait3A_92 : memref<96x32xf32, #tpu.memory_space<hbm>>)
        tpu.yield
      }) : () -> ()
      %add3A_58 = arith.constant 3 : i32
      %add3A_59 = arith.addi %add3A_48, %add3A_58 : i32
      %lt3A_60 = arith.constant 27 : i32
      %lt3A_61 = arith.cmpi slt, %add3A_59, %lt3A_60 : i32
      %convert_element_type3A_62 = arith.extui %lt3A_61 : i1 to i32
      %cond3A_63 = arith.constant 0 : i32
      %cond3A_64 = arith.cmpi ne, %convert_element_type3A_62, %cond3A_63 : i32
      scf.if %cond3A_64 {
        %add3A_85 = arith.constant 3 : i32
        %add3A_86 = arith.addi %add3A_48, %add3A_85 : i32
        %dma_start3A_87 = arith.constant 0 : i32
        %dma_start3A_88 = tpu.memref_slice %arg5[%add3A_86, %dma_start3A_87] : memref<27x96xi32, #tpu.memory_space<vmem>> -> memref<1x96xi32, #tpu.memory_space<vmem>>
        %dma_start3A_89 = tpu.memref_squeeze %dma_start3A_88 : memref<1x96xi32, #tpu.memory_space<vmem>> -> memref<96xi32, #tpu.memory_space<vmem>>
        %dma_start3A_90 = arith.constant 0 : i32
        %dma_start3A_91 = arith.constant 0 : i32
        %dma_start3A_92 = tpu.memref_slice %arg2[%dma_start3A_90, %dma_start3A_91] : memref<9216x32xf32, #tpu.memory_space<hbm>> -> memref<9216x32xf32, #tpu.memory_space<hbm>>
        tpu.enqueue_indirect_dma source(%dma_start3A_92 : memref<9216x32xf32, #tpu.memory_space<hbm>>) target(%arg7 : memref<96x32xf32, #tpu.memory_space<vmem>>) offsets(%dma_start3A_89 : memref<96xi32, #tpu.memory_space<vmem>>) semaphore(%arg10 : memref<!tpu.dma_semaphore, #tpu.memory_space<semaphore_mem>>)
      } else {
      }
      %mul3A_65 = arith.constant 3 : i32
      %mul3A_66 = arith.muli %mul3A_65, %scan3A_28 : i32
      %add3A_67 = arith.constant 2 : i32
      %add3A_68 = arith.addi %mul3A_66, %add3A_67 : i32
      %dma_wait3A_69 = arith.constant 0 : i32
      %dma_wait3A_70 = tpu.memref_slice %arg5[%add3A_68, %dma_wait3A_69] : memref<27x96xi32, #tpu.memory_space<vmem>> -> memref<1x96xi32, #tpu.memory_space<vmem>>
      %dma_wait3A_71 = tpu.memref_squeeze %dma_wait3A_70 : memref<1x96xi32, #tpu.memory_space<vmem>> -> memref<96xi32, #tpu.memory_space<vmem>>
      %dma_wait3A_72 = arith.constant 0 : i32
      %dma_wait3A_73 = arith.constant 0 : i32
      %dma_wait3A_74 = tpu.memref_slice %arg2[%dma_wait3A_72, %dma_wait3A_73] : memref<9216x32xf32, #tpu.memory_space<hbm>> -> memref<9216x32xf32, #tpu.memory_space<hbm>>
      tpu.wait_indirect_dma semaphore(%arg11 : memref<!tpu.dma_semaphore, #tpu.memory_space<semaphore_mem>>) src(%dma_wait3A_74 : memref<9216x32xf32, #tpu.memory_space<hbm>>) dst(%arg8 : memref<96x32xf32, #tpu.memory_space<vmem>>)
      %mul3A_75 = arith.constant 96 : i32
      %mul3A_76 = arith.muli %add3A_68, %mul3A_75 : i32
      %add3A_77 = arith.addi %mul3A_2, %mul3A_76 : i32
      "tpu.region"() ({
        %run_scoped3A = tpu.sem_alloc : memref<!tpu.dma_semaphore, #tpu.memory_space<semaphore_mem>>
        %dma_start3A_85 = arith.constant 0 : i32
        %dma_start3A_86 = tpu.memref_slice %arg4[%add3A_77, %dma_start3A_85] : memref<82944x32xf32, #tpu.memory_space<hbm>> -> memref<96x32xf32, #tpu.memory_space<hbm>>
        %dma_start3A_87 = arith.constant 0 : i32
        %dma_start3A_88 = tpu.memref_slice %arg4[%add3A_77, %dma_start3A_87] : memref<82944x32xf32, #tpu.memory_space<hbm>> -> memref<96x32xf32, #tpu.memory_space<hbm>>
        tpu.enqueue_dma source(%arg8 : memref<96x32xf32, #tpu.memory_space<vmem>>) target(%dma_start3A_88 : memref<96x32xf32, #tpu.memory_space<hbm>>) target_semaphore(%run_scoped3A : memref<!tpu.dma_semaphore, #tpu.memory_space<semaphore_mem>>)
        %dma_wait3A_89 = arith.constant 0 : i32
        %dma_wait3A_90 = tpu.memref_slice %arg4[%add3A_77, %dma_wait3A_89] : memref<82944x32xf32, #tpu.memory_space<hbm>> -> memref<96x32xf32, #tpu.memory_space<hbm>>
        %dma_wait3A_91 = arith.constant 0 : i32
        %dma_wait3A_92 = tpu.memref_slice %arg4[%add3A_77, %dma_wait3A_91] : memref<82944x32xf32, #tpu.memory_space<hbm>> -> memref<96x32xf32, #tpu.memory_space<hbm>>
        tpu.wait_dma2 semaphore(%run_scoped3A : memref<!tpu.dma_semaphore, #tpu.memory_space<semaphore_mem>>) src(%arg8 : memref<96x32xf32, #tpu.memory_space<vmem>>) dst(%dma_wait3A_92 : memref<96x32xf32, #tpu.memory_space<hbm>>)
        tpu.yield
      }) : () -> ()
      %add3A_78 = arith.constant 3 : i32
      %add3A_79 = arith.addi %add3A_68, %add3A_78 : i32
      %lt3A_80 = arith.constant 27 : i32
      %lt3A_81 = arith.cmpi slt, %add3A_79, %lt3A_80 : i32
      %convert_element_type3A_82 = arith.extui %lt3A_81 : i1 to i32
      %cond3A_83 = arith.constant 0 : i32
      %cond3A_84 = arith.cmpi ne, %convert_element_type3A_82, %cond3A_83 : i32
      scf.if %cond3A_84 {
        %add3A_85 = arith.constant 3 : i32
        %add3A_86 = arith.addi %add3A_68, %add3A_85 : i32
        %dma_start3A_87 = arith.constant 0 : i32
        %dma_start3A_88 = tpu.memref_slice %arg5[%add3A_86, %dma_start3A_87] : memref<27x96xi32, #tpu.memory_space<vmem>> -> memref<1x96xi32, #tpu.memory_space<vmem>>
        %dma_start3A_89 = tpu.memref_squeeze %dma_start3A_88 : memref<1x96xi32, #tpu.memory_space<vmem>> -> memref<96xi32, #tpu.memory_space<vmem>>
        %dma_start3A_90 = arith.constant 0 : i32
        %dma_start3A_91 = arith.constant 0 : i32
        %dma_start3A_92 = tpu.memref_slice %arg2[%dma_start3A_90, %dma_start3A_91] : memref<9216x32xf32, #tpu.memory_space<hbm>> -> memref<9216x32xf32, #tpu.memory_space<hbm>>
        tpu.enqueue_indirect_dma source(%dma_start3A_92 : memref<9216x32xf32, #tpu.memory_space<hbm>>) target(%arg8 : memref<96x32xf32, #tpu.memory_space<vmem>>) offsets(%dma_start3A_89 : memref<96xi32, #tpu.memory_space<vmem>>) semaphore(%arg11 : memref<!tpu.dma_semaphore, #tpu.memory_space<semaphore_mem>>)
      } else {
      }
    }
    %scan3A_27 = arith.constant 9 : i32
    return
  }
}

#map = affine_map<(d0, d1) -> (0, 0)>
#map1 = affine_map<(d0, d1) -> (0, 0, 0)>
module attributes {stable_mosaic.version = 14 : i64} {
  func.func @_gather_body(%arg0: i32, %arg1: i32, %arg2: memref<9216x32xf32, #tpu.memory_space<hbm>>, %arg3: memref<32x27x96xi32, #tpu.memory_space<hbm>>, %arg4: memref<82944x32xf32, #tpu.memory_space<hbm>>, %arg5: memref<27x96xi32, #tpu.memory_space<vmem>>, %arg6: memref<96x32xf32, #tpu.memory_space<vmem>>, %arg7: memref<96x32xf32, #tpu.memory_space<vmem>>, %arg8: memref<96x32xf32, #tpu.memory_space<vmem>>, %arg9: memref<!tpu.dma_semaphore, #tpu.memory_space<semaphore_mem>>, %arg10: memref<!tpu.dma_semaphore, #tpu.memory_space<semaphore_mem>>, %arg11: memref<!tpu.dma_semaphore, #tpu.memory_space<semaphore_mem>>) attributes {dimension_semantics = [#tpu.dimension_semantics<core_parallel>, #tpu.dimension_semantics<subcore_parallel>], iteration_bounds = array<i64: 2, 16>, scalar_prefetch = 0 : i64, scratch_operands = 7 : i64, tpu.core_type = #tpu.core_type<sc_vector_subcore>, window_params = [{transform_indices = #map}, {transform_indices = #map1}, {transform_indices = #map}]} {
    %mul3A = arith.constant 2 : i32
    %mul3A_0 = arith.muli %arg1, %mul3A : i32
    %add3A = arith.addi %mul3A_0, %arg0 : i32
    %mul3A_1 = arith.constant 2592 : i32
    %mul3A_2 = arith.muli %add3A, %mul3A_1 : i32
    "tpu.region"() ({
      %run_scoped3A = tpu.sem_alloc : memref<!tpu.dma_semaphore, #tpu.memory_space<semaphore_mem>>
      %dma_start3A_28 = arith.constant 0 : i32
      %dma_start3A_29 = arith.constant 0 : i32
      %dma_start3A_30 = tpu.memref_slice %arg3[%add3A, %dma_start3A_28, %dma_start3A_29] : memref<32x27x96xi32, #tpu.memory_space<hbm>> -> memref<1x27x96xi32, #tpu.memory_space<hbm>>
      %dma_start3A_31 = tpu.memref_squeeze %dma_start3A_30 : memref<1x27x96xi32, #tpu.memory_space<hbm>> -> memref<27x96xi32, #tpu.memory_space<hbm>>
      %dma_start3A_32 = arith.constant 0 : i32
      %dma_start3A_33 = arith.constant 0 : i32
      %dma_start3A_34 = tpu.memref_slice %arg3[%add3A, %dma_start3A_32, %dma_start3A_33] : memref<32x27x96xi32, #tpu.memory_space<hbm>> -> memref<1x27x96xi32, #tpu.memory_space<hbm>>
      %dma_start3A_35 = tpu.memref_squeeze %dma_start3A_34 : memref<1x27x96xi32, #tpu.memory_space<hbm>> -> memref<27x96xi32, #tpu.memory_space<hbm>>
      tpu.enqueue_dma source(%dma_start3A_35 : memref<27x96xi32, #tpu.memory_space<hbm>>) target(%arg5 : memref<27x96xi32, #tpu.memory_space<vmem>>) target_semaphore(%run_scoped3A : memref<!tpu.dma_semaphore, #tpu.memory_space<semaphore_mem>>)
      %dma_wait3A = arith.constant 0 : i32
      %dma_wait3A_36 = arith.constant 0 : i32
      %dma_wait3A_37 = tpu.memref_slice %arg3[%add3A, %dma_wait3A, %dma_wait3A_36] : memref<32x27x96xi32, #tpu.memory_space<hbm>> -> memref<1x27x96xi32, #tpu.memory_space<hbm>>
      %dma_wait3A_38 = tpu.memref_squeeze %dma_wait3A_37 : memref<1x27x96xi32, #tpu.memory_space<hbm>> -> memref<27x96xi32, #tpu.memory_space<hbm>>
      %dma_wait3A_39 = arith.constant 0 : i32
      %dma_wait3A_40 = arith.constant 0 : i32
      %dma_wait3A_41 = tpu.memref_slice %arg3[%add3A, %dma_wait3A_39, %dma_wait3A_40] : memref<32x27x96xi32, #tpu.memory_space<hbm>> -> memref<1x27x96xi32, #tpu.memory_space<hbm>>
      %dma_wait3A_42 = tpu.memref_squeeze %dma_wait3A_41 : memref<1x27x96xi32, #tpu.memory_space<hbm>> -> memref<27x96xi32, #tpu.memory_space<hbm>>
      tpu.wait_dma2 semaphore(%run_scoped3A : memref<!tpu.dma_semaphore, #tpu.memory_space<semaphore_mem>>) src(%dma_wait3A_42 : memref<27x96xi32, #tpu.memory_space<hbm>>) dst(%arg5 : memref<27x96xi32, #tpu.memory_space<vmem>>)
      tpu.yield
    }) : () -> ()
    %dma_start3A = arith.constant 0 : i32
    %dma_start3A_3 = arith.constant 0 : i32
    %dma_start3A_4 = tpu.memref_slice %arg5[%dma_start3A, %dma_start3A_3] : memref<27x96xi32, #tpu.memory_space<vmem>> -> memref<1x96xi32, #tpu.memory_space<vmem>>
    %dma_start3A_5 = tpu.memref_squeeze %dma_start3A_4 : memref<1x96xi32, #tpu.memory_space<vmem>> -> memref<96xi32, #tpu.memory_space<vmem>>
    %dma_start3A_6 = arith.constant 0 : i32
    %dma_start3A_7 = arith.constant 0 : i32
    %dma_start3A_8 = tpu.memref_slice %arg2[%dma_start3A_6, %dma_start3A_7] : memref<9216x32xf32, #tpu.memory_space<hbm>> -> memref<9216x32xf32, #tpu.memory_space<hbm>>
    tpu.enqueue_indirect_dma source(%dma_start3A_8 : memref<9216x32xf32, #tpu.memory_space<hbm>>) target(%arg6 : memref<96x32xf32, #tpu.memory_space<vmem>>) offsets(%dma_start3A_5 : memref<96xi32, #tpu.memory_space<vmem>>) semaphore(%arg9 : memref<!tpu.dma_semaphore, #tpu.memory_space<semaphore_mem>>)
    %dma_start3A_9 = arith.constant 1 : i32
    %dma_start3A_10 = arith.constant 0 : i32
    %dma_start3A_11 = tpu.memref_slice %arg5[%dma_start3A_9, %dma_start3A_10] : memref<27x96xi32, #tpu.memory_space<vmem>> -> memref<1x96xi32, #tpu.memory_space<vmem>>
    %dma_start3A_12 = tpu.memref_squeeze %dma_start3A_11 : memref<1x96xi32, #tpu.memory_space<vmem>> -> memref<96xi32, #tpu.memory_space<vmem>>
    %dma_start3A_13 = arith.constant 0 : i32
    %dma_start3A_14 = arith.constant 0 : i32
    %dma_start3A_15 = tpu.memref_slice %arg2[%dma_start3A_13, %dma_start3A_14] : memref<9216x32xf32, #tpu.memory_space<hbm>> -> memref<9216x32xf32, #tpu.memory_space<hbm>>
    tpu.enqueue_indirect_dma source(%dma_start3A_15 : memref<9216x32xf32, #tpu.memory_space<hbm>>) target(%arg7 : memref<96x32xf32, #tpu.memory_space<vmem>>) offsets(%dma_start3A_12 : memref<96xi32, #tpu.memory_space<vmem>>) semaphore(%arg10 : memref<!tpu.dma_semaphore, #tpu.memory_space<semaphore_mem>>)
    %dma_start3A_16 = arith.constant 2 : i32
    %dma_start3A_17 = arith.constant 0 : i32
    %dma_start3A_18 = tpu.memref_slice %arg5[%dma_start3A_16, %dma_start3A_17] : memref<27x96xi32, #tpu.memory_space<vmem>> -> memref<1x96xi32, #tpu.memory_space<vmem>>
    %dma_start3A_19 = tpu.memref_squeeze %dma_start3A_18 : memref<1x96xi32, #tpu.memory_space<vmem>> -> memref<96xi32, #tpu.memory_space<vmem>>
    %dma_start3A_20 = arith.constant 0 : i32
    %dma_start3A_21 = arith.constant 0 : i32
    %dma_start3A_22 = tpu.memref_slice %arg2[%dma_start3A_20, %dma_start3A_21] : memref<9216x32xf32, #tpu.memory_space<hbm>> -> memref<9216x32xf32, #tpu.memory_space<hbm>>
    tpu.enqueue_indirect_dma source(%dma_start3A_22 : memref<9216x32xf32, #tpu.memory_space<hbm>>) target(%arg8 : memref<96x32xf32, #tpu.memory_space<vmem>>) offsets(%dma_start3A_19 : memref<96xi32, #tpu.memory_space<vmem>>) semaphore(%arg11 : memref<!tpu.dma_semaphore, #tpu.memory_space<semaphore_mem>>)
    %scan3A = arith.constant 0 : i32
    %scan3A_23 = arith.constant 0 : i32
    %scan3A_24 = arith.constant 9 : i32
    %scan3A_25 = arith.addi %scan3A_23, %scan3A_24 : i32
    %scan3A_26 = arith.constant 1 : i32
    scf.for %scan3A_28 = %scan3A_23 to %scan3A_25 step %scan3A_26  : i32 {
      %mul3A_29 = arith.constant 3 : i32
      %mul3A_30 = arith.muli %mul3A_29, %scan3A_28 : i32
      %add3A_31 = arith.constant 0 : i32
      %add3A_32 = arith.addi %mul3A_30, %add3A_31 : i32
      %dma_wait3A = arith.constant 0 : i32
      %dma_wait3A_33 = tpu.memref_slice %arg5[%add3A_32, %dma_wait3A] : memref<27x96xi32, #tpu.memory_space<vmem>> -> memref<1x96xi32, #tpu.memory_space<vmem>>
      %dma_wait3A_34 = tpu.memref_squeeze %dma_wait3A_33 : memref<1x96xi32, #tpu.memory_space<vmem>> -> memref<96xi32, #tpu.memory_space<vmem>>
      %dma_wait3A_35 = arith.constant 0 : i32
      %dma_wait3A_36 = arith.constant 0 : i32
      %dma_wait3A_37 = tpu.memref_slice %arg2[%dma_wait3A_35, %dma_wait3A_36] : memref<9216x32xf32, #tpu.memory_space<hbm>> -> memref<9216x32xf32, #tpu.memory_space<hbm>>
      tpu.wait_indirect_dma semaphore(%arg9 : memref<!tpu.dma_semaphore, #tpu.memory_space<semaphore_mem>>) src(%dma_wait3A_37 : memref<9216x32xf32, #tpu.memory_space<hbm>>) dst(%arg6 : memref<96x32xf32, #tpu.memory_space<vmem>>)
      %mul3A_38 = arith.constant 96 : i32
      %mul3A_39 = arith.muli %add3A_32, %mul3A_38 : i32
      %add3A_40 = arith.addi %mul3A_2, %mul3A_39 : i32
      "tpu.region"() ({
        %run_scoped3A = tpu.sem_alloc : memref<!tpu.dma_semaphore, #tpu.memory_space<semaphore_mem>>
        %dma_start3A_85 = arith.constant 0 : i32
        %dma_start3A_86 = tpu.memref_slice %arg4[%add3A_40, %dma_start3A_85] : memref<82944x32xf32, #tpu.memory_space<hbm>> -> memref<96x32xf32, #tpu.memory_space<hbm>>
        %dma_start3A_87 = arith.constant 0 : i32
        %dma_start3A_88 = tpu.memref_slice %arg4[%add3A_40, %dma_start3A_87] : memref<82944x32xf32, #tpu.memory_space<hbm>> -> memref<96x32xf32, #tpu.memory_space<hbm>>
        tpu.enqueue_dma source(%arg6 : memref<96x32xf32, #tpu.memory_space<vmem>>) target(%dma_start3A_88 : memref<96x32xf32, #tpu.memory_space<hbm>>) target_semaphore(%run_scoped3A : memref<!tpu.dma_semaphore, #tpu.memory_space<semaphore_mem>>)
        %dma_wait3A_89 = arith.constant 0 : i32
        %dma_wait3A_90 = tpu.memref_slice %arg4[%add3A_40, %dma_wait3A_89] : memref<82944x32xf32, #tpu.memory_space<hbm>> -> memref<96x32xf32, #tpu.memory_space<hbm>>
        %dma_wait3A_91 = arith.constant 0 : i32
        %dma_wait3A_92 = tpu.memref_slice %arg4[%add3A_40, %dma_wait3A_91] : memref<82944x32xf32, #tpu.memory_space<hbm>> -> memref<96x32xf32, #tpu.memory_space<hbm>>
        tpu.wait_dma2 semaphore(%run_scoped3A : memref<!tpu.dma_semaphore, #tpu.memory_space<semaphore_mem>>) src(%arg6 : memref<96x32xf32, #tpu.memory_space<vmem>>) dst(%dma_wait3A_92 : memref<96x32xf32, #tpu.memory_space<hbm>>)
        tpu.yield
      }) : () -> ()
      %add3A_41 = arith.constant 3 : i32
      %add3A_42 = arith.addi %add3A_32, %add3A_41 : i32
      %lt3A = arith.constant 27 : i32
      %lt3A_43 = arith.cmpi slt, %add3A_42, %lt3A : i32
      %convert_element_type3A = arith.extui %lt3A_43 : i1 to i32
      %cond3A = arith.constant 0 : i32
      %cond3A_44 = arith.cmpi ne, %convert_element_type3A, %cond3A : i32
      scf.if %cond3A_44 {
        %add3A_85 = arith.constant 3 : i32
        %add3A_86 = arith.addi %add3A_32, %add3A_85 : i32
        %dma_start3A_87 = arith.constant 0 : i32
        %dma_start3A_88 = tpu.memref_slice %arg5[%add3A_86, %dma_start3A_87] : memref<27x96xi32, #tpu.memory_space<vmem>> -> memref<1x96xi32, #tpu.memory_space<vmem>>
        %dma_start3A_89 = tpu.memref_squeeze %dma_start3A_88 : memref<1x96xi32, #tpu.memory_space<vmem>> -> memref<96xi32, #tpu.memory_space<vmem>>
        %dma_start3A_90 = arith.constant 0 : i32
        %dma_start3A_91 = arith.constant 0 : i32
        %dma_start3A_92 = tpu.memref_slice %arg2[%dma_start3A_90, %dma_start3A_91] : memref<9216x32xf32, #tpu.memory_space<hbm>> -> memref<9216x32xf32, #tpu.memory_space<hbm>>
        tpu.enqueue_indirect_dma source(%dma_start3A_92 : memref<9216x32xf32, #tpu.memory_space<hbm>>) target(%arg6 : memref<96x32xf32, #tpu.memory_space<vmem>>) offsets(%dma_start3A_89 : memref<96xi32, #tpu.memory_space<vmem>>) semaphore(%arg9 : memref<!tpu.dma_semaphore, #tpu.memory_space<semaphore_mem>>)
      } else {
      }
      %mul3A_45 = arith.constant 3 : i32
      %mul3A_46 = arith.muli %mul3A_45, %scan3A_28 : i32
      %add3A_47 = arith.constant 1 : i32
      %add3A_48 = arith.addi %mul3A_46, %add3A_47 : i32
      %dma_wait3A_49 = arith.constant 0 : i32
      %dma_wait3A_50 = tpu.memref_slice %arg5[%add3A_48, %dma_wait3A_49] : memref<27x96xi32, #tpu.memory_space<vmem>> -> memref<1x96xi32, #tpu.memory_space<vmem>>
      %dma_wait3A_51 = tpu.memref_squeeze %dma_wait3A_50 : memref<1x96xi32, #tpu.memory_space<vmem>> -> memref<96xi32, #tpu.memory_space<vmem>>
      %dma_wait3A_52 = arith.constant 0 : i32
      %dma_wait3A_53 = arith.constant 0 : i32
      %dma_wait3A_54 = tpu.memref_slice %arg2[%dma_wait3A_52, %dma_wait3A_53] : memref<9216x32xf32, #tpu.memory_space<hbm>> -> memref<9216x32xf32, #tpu.memory_space<hbm>>
      tpu.wait_indirect_dma semaphore(%arg10 : memref<!tpu.dma_semaphore, #tpu.memory_space<semaphore_mem>>) src(%dma_wait3A_54 : memref<9216x32xf32, #tpu.memory_space<hbm>>) dst(%arg7 : memref<96x32xf32, #tpu.memory_space<vmem>>)
      %mul3A_55 = arith.constant 96 : i32
      %mul3A_56 = arith.muli %add3A_48, %mul3A_55 : i32
      %add3A_57 = arith.addi %mul3A_2, %mul3A_56 : i32
      "tpu.region"() ({
        %run_scoped3A = tpu.sem_alloc : memref<!tpu.dma_semaphore, #tpu.memory_space<semaphore_mem>>
        %dma_start3A_85 = arith.constant 0 : i32
        %dma_start3A_86 = tpu.memref_slice %arg4[%add3A_57, %dma_start3A_85] : memref<82944x32xf32, #tpu.memory_space<hbm>> -> memref<96x32xf32, #tpu.memory_space<hbm>>
        %dma_start3A_87 = arith.constant 0 : i32
        %dma_start3A_88 = tpu.memref_slice %arg4[%add3A_57, %dma_start3A_87] : memref<82944x32xf32, #tpu.memory_space<hbm>> -> memref<96x32xf32, #tpu.memory_space<hbm>>
        tpu.enqueue_dma source(%arg7 : memref<96x32xf32, #tpu.memory_space<vmem>>) target(%dma_start3A_88 : memref<96x32xf32, #tpu.memory_space<hbm>>) target_semaphore(%run_scoped3A : memref<!tpu.dma_semaphore, #tpu.memory_space<semaphore_mem>>)
        %dma_wait3A_89 = arith.constant 0 : i32
        %dma_wait3A_90 = tpu.memref_slice %arg4[%add3A_57, %dma_wait3A_89] : memref<82944x32xf32, #tpu.memory_space<hbm>> -> memref<96x32xf32, #tpu.memory_space<hbm>>
        %dma_wait3A_91 = arith.constant 0 : i32
        %dma_wait3A_92 = tpu.memref_slice %arg4[%add3A_57, %dma_wait3A_91] : memref<82944x32xf32, #tpu.memory_space<hbm>> -> memref<96x32xf32, #tpu.memory_space<hbm>>
        tpu.wait_dma2 semaphore(%run_scoped3A : memref<!tpu.dma_semaphore, #tpu.memory_space<semaphore_mem>>) src(%arg7 : memref<96x32xf32, #tpu.memory_space<vmem>>) dst(%dma_wait3A_92 : memref<96x32xf32, #tpu.memory_space<hbm>>)
        tpu.yield
      }) : () -> ()
      %add3A_58 = arith.constant 3 : i32
      %add3A_59 = arith.addi %add3A_48, %add3A_58 : i32
      %lt3A_60 = arith.constant 27 : i32
      %lt3A_61 = arith.cmpi slt, %add3A_59, %lt3A_60 : i32
      %convert_element_type3A_62 = arith.extui %lt3A_61 : i1 to i32
      %cond3A_63 = arith.constant 0 : i32
      %cond3A_64 = arith.cmpi ne, %convert_element_type3A_62, %cond3A_63 : i32
      scf.if %cond3A_64 {
        %add3A_85 = arith.constant 3 : i32
        %add3A_86 = arith.addi %add3A_48, %add3A_85 : i32
        %dma_start3A_87 = arith.constant 0 : i32
        %dma_start3A_88 = tpu.memref_slice %arg5[%add3A_86, %dma_start3A_87] : memref<27x96xi32, #tpu.memory_space<vmem>> -> memref<1x96xi32, #tpu.memory_space<vmem>>
        %dma_start3A_89 = tpu.memref_squeeze %dma_start3A_88 : memref<1x96xi32, #tpu.memory_space<vmem>> -> memref<96xi32, #tpu.memory_space<vmem>>
        %dma_start3A_90 = arith.constant 0 : i32
        %dma_start3A_91 = arith.constant 0 : i32
        %dma_start3A_92 = tpu.memref_slice %arg2[%dma_start3A_90, %dma_start3A_91] : memref<9216x32xf32, #tpu.memory_space<hbm>> -> memref<9216x32xf32, #tpu.memory_space<hbm>>
        tpu.enqueue_indirect_dma source(%dma_start3A_92 : memref<9216x32xf32, #tpu.memory_space<hbm>>) target(%arg7 : memref<96x32xf32, #tpu.memory_space<vmem>>) offsets(%dma_start3A_89 : memref<96xi32, #tpu.memory_space<vmem>>) semaphore(%arg10 : memref<!tpu.dma_semaphore, #tpu.memory_space<semaphore_mem>>)
      } else {
      }
      %mul3A_65 = arith.constant 3 : i32
      %mul3A_66 = arith.muli %mul3A_65, %scan3A_28 : i32
      %add3A_67 = arith.constant 2 : i32
      %add3A_68 = arith.addi %mul3A_66, %add3A_67 : i32
      %dma_wait3A_69 = arith.constant 0 : i32
      %dma_wait3A_70 = tpu.memref_slice %arg5[%add3A_68, %dma_wait3A_69] : memref<27x96xi32, #tpu.memory_space<vmem>> -> memref<1x96xi32, #tpu.memory_space<vmem>>
      %dma_wait3A_71 = tpu.memref_squeeze %dma_wait3A_70 : memref<1x96xi32, #tpu.memory_space<vmem>> -> memref<96xi32, #tpu.memory_space<vmem>>
      %dma_wait3A_72 = arith.constant 0 : i32
      %dma_wait3A_73 = arith.constant 0 : i32
      %dma_wait3A_74 = tpu.memref_slice %arg2[%dma_wait3A_72, %dma_wait3A_73] : memref<9216x32xf32, #tpu.memory_space<hbm>> -> memref<9216x32xf32, #tpu.memory_space<hbm>>
      tpu.wait_indirect_dma semaphore(%arg11 : memref<!tpu.dma_semaphore, #tpu.memory_space<semaphore_mem>>) src(%dma_wait3A_74 : memref<9216x32xf32, #tpu.memory_space<hbm>>) dst(%arg8 : memref<96x32xf32, #tpu.memory_space<vmem>>)
      %mul3A_75 = arith.constant 96 : i32
      %mul3A_76 = arith.muli %add3A_68, %mul3A_75 : i32
      %add3A_77 = arith.addi %mul3A_2, %mul3A_76 : i32
      "tpu.region"() ({
        %run_scoped3A = tpu.sem_alloc : memref<!tpu.dma_semaphore, #tpu.memory_space<semaphore_mem>>
        %dma_start3A_85 = arith.constant 0 : i32
        %dma_start3A_86 = tpu.memref_slice %arg4[%add3A_77, %dma_start3A_85] : memref<82944x32xf32, #tpu.memory_space<hbm>> -> memref<96x32xf32, #tpu.memory_space<hbm>>
        %dma_start3A_87 = arith.constant 0 : i32
        %dma_start3A_88 = tpu.memref_slice %arg4[%add3A_77, %dma_start3A_87] : memref<82944x32xf32, #tpu.memory_space<hbm>> -> memref<96x32xf32, #tpu.memory_space<hbm>>
        tpu.enqueue_dma source(%arg8 : memref<96x32xf32, #tpu.memory_space<vmem>>) target(%dma_start3A_88 : memref<96x32xf32, #tpu.memory_space<hbm>>) target_semaphore(%run_scoped3A : memref<!tpu.dma_semaphore, #tpu.memory_space<semaphore_mem>>)
        %dma_wait3A_89 = arith.constant 0 : i32
        %dma_wait3A_90 = tpu.memref_slice %arg4[%add3A_77, %dma_wait3A_89] : memref<82944x32xf32, #tpu.memory_space<hbm>> -> memref<96x32xf32, #tpu.memory_space<hbm>>
        %dma_wait3A_91 = arith.constant 0 : i32
        %dma_wait3A_92 = tpu.memref_slice %arg4[%add3A_77, %dma_wait3A_91] : memref<82944x32xf32, #tpu.memory_space<hbm>> -> memref<96x32xf32, #tpu.memory_space<hbm>>
        tpu.wait_dma2 semaphore(%run_scoped3A : memref<!tpu.dma_semaphore, #tpu.memory_space<semaphore_mem>>) src(%arg8 : memref<96x32xf32, #tpu.memory_space<vmem>>) dst(%dma_wait3A_92 : memref<96x32xf32, #tpu.memory_space<hbm>>)
        tpu.yield
      }) : () -> ()
      %add3A_78 = arith.constant 3 : i32
      %add3A_79 = arith.addi %add3A_68, %add3A_78 : i32
      %lt3A_80 = arith.constant 27 : i32
      %lt3A_81 = arith.cmpi slt, %add3A_79, %lt3A_80 : i32
      %convert_element_type3A_82 = arith.extui %lt3A_81 : i1 to i32
      %cond3A_83 = arith.constant 0 : i32
      %cond3A_84 = arith.cmpi ne, %convert_element_type3A_82, %cond3A_83 : i32
      scf.if %cond3A_84 {
        %add3A_85 = arith.constant 3 : i32
        %add3A_86 = arith.addi %add3A_68, %add3A_85 : i32
        %dma_start3A_87 = arith.constant 0 : i32
        %dma_start3A_88 = tpu.memref_slice %arg5[%add3A_86, %dma_start3A_87] : memref<27x96xi32, #tpu.memory_space<vmem>> -> memref<1x96xi32, #tpu.memory_space<vmem>>
        %dma_start3A_89 = tpu.memref_squeeze %dma_start3A_88 : memref<1x96xi32, #tpu.memory_space<vmem>> -> memref<96xi32, #tpu.memory_space<vmem>>
        %dma_start3A_90 = arith.constant 0 : i32
        %dma_start3A_91 = arith.constant 0 : i32
        %dma_start3A_92 = tpu.memref_slice %arg2[%dma_start3A_90, %dma_start3A_91] : memref<9216x32xf32, #tpu.memory_space<hbm>> -> memref<9216x32xf32, #tpu.memory_space<hbm>>
        tpu.enqueue_indirect_dma source(%dma_start3A_92 : memref<9216x32xf32, #tpu.memory_space<hbm>>) target(%arg8 : memref<96x32xf32, #tpu.memory_space<vmem>>) offsets(%dma_start3A_89 : memref<96xi32, #tpu.memory_space<vmem>>) semaphore(%arg11 : memref<!tpu.dma_semaphore, #tpu.memory_space<semaphore_mem>>)
      } else {
      }
    }
    %scan3A_27 = arith.constant 9 : i32
    return
  }
}

module attributes {stable_mosaic.version = 14 : i64} {
  func.func @_topk_body(%arg0: i32, %arg1: i32, %arg2: memref<1x32x2304xf32, #tpu.memory_space<vmem>>, %arg3: memref<1x32x768xf32, #tpu.memory_space<vmem>>, %arg4: memref<1x16x768xi32, #tpu.memory_space<vmem>>, %arg5: memref<1x768x32xf32, #tpu.memory_space<vmem>>) attributes {dimension_semantics = [#tpu.dimension_semantics<arbitrary>, #tpu.dimension_semantics<arbitrary>], iteration_bounds = array<i64: 4, 3>, scalar_prefetch = 0 : i64, scratch_operands = 0 : i64, tpu.core_type = #tpu.core_type<tc>, window_params = [{transform_indices = @transform_0, window_bounds = array<i64: 1, 32, 2304>}, {transform_indices = @transform_1, window_bounds = array<i64: 1, 32, 768>}, {transform_indices = @transform_2, window_bounds = array<i64: 1, 16, 768>}, {transform_indices = @transform_3, window_bounds = array<i64: 1, 768, 32>}]} {
    %get3A = arith.constant 0 : index
    %get3A_0 = arith.constant 0 : index
    %get3A_1 = arith.constant 0 : index
    %get3A_2 = vector.load %arg2[%get3A, %get3A_0, %get3A_1] : memref<1x32x2304xf32, #tpu.memory_space<vmem>>, vector<1x32x2304xf32>
    %get3A_3 = vector.shape_cast %get3A_2 : vector<1x32x2304xf32> to vector<32x2304xf32>
    %mul3A = arith.mulf %get3A_3, %get3A_3 : vector<32x2304xf32>
    %reduce_sum3A = arith.constant dense<0.000000e+00> : vector<2304xf32>
    %reduce_sum3A_4 = vector.multi_reduction <add>, %mul3A, %reduce_sum3A [0] : vector<32x2304xf32> to vector<2304xf32>
    %broadcast_in_dim3A = vector.shape_cast %reduce_sum3A_4 : vector<2304xf32> to vector<1x2304xf32>
    %sqrt3A = math.sqrt %broadcast_in_dim3A : vector<1x2304xf32>
    %max3A = arith.constant 9.99999996E-13 : f32
    %max3A_5 = vector.broadcast %max3A : f32 to vector<1x2304xf32>
    %max3A_6 = arith.maximumf %sqrt3A, %max3A_5 : vector<1x2304xf32>
    %div3A = vector.broadcast %max3A_6 : vector<1x2304xf32> to vector<32x2304xf32>
    %div3A_7 = arith.divf %get3A_3, %div3A : vector<32x2304xf32>
    %get3A_8 = arith.constant 0 : index
    %get3A_9 = arith.constant 0 : index
    %get3A_10 = arith.constant 0 : index
    %get3A_11 = vector.load %arg3[%get3A_8, %get3A_9, %get3A_10] : memref<1x32x768xf32, #tpu.memory_space<vmem>>, vector<1x32x768xf32>
    %get3A_12 = vector.shape_cast %get3A_11 : vector<1x32x768xf32> to vector<32x768xf32>
    %mul3A_13 = arith.mulf %get3A_12, %get3A_12 : vector<32x768xf32>
    %reduce_sum3A_14 = arith.constant dense<0.000000e+00> : vector<768xf32>
    %reduce_sum3A_15 = vector.multi_reduction <add>, %mul3A_13, %reduce_sum3A_14 [0] : vector<32x768xf32> to vector<768xf32>
    %broadcast_in_dim3A_16 = vector.shape_cast %reduce_sum3A_15 : vector<768xf32> to vector<1x768xf32>
    %sqrt3A_17 = math.sqrt %broadcast_in_dim3A_16 : vector<1x768xf32>
    %max3A_18 = arith.constant 9.99999996E-13 : f32
    %max3A_19 = vector.broadcast %max3A_18 : f32 to vector<1x768xf32>
    %max3A_20 = arith.maximumf %sqrt3A_17, %max3A_19 : vector<1x768xf32>
    %div3A_21 = vector.broadcast %max3A_20 : vector<1x768xf32> to vector<32x768xf32>
    %div3A_22 = arith.divf %get3A_12, %div3A_21 : vector<32x768xf32>
    %transpose3A = tpu.transpose %get3A_12, [1, 0] : vector<32x768xf32> -> vector<768x32xf32>
    %swap3A = arith.constant 0 : index
    %swap3A_23 = arith.constant 0 : index
    %swap3A_24 = arith.constant 0 : index
    %swap3A_25 = vector.load %arg5[%swap3A, %swap3A_23, %swap3A_24] : memref<1x768x32xf32, #tpu.memory_space<vmem>>, vector<1x768x32xf32>
    %swap3A_26 = vector.shape_cast %swap3A_25 : vector<1x768x32xf32> to vector<768x32xf32>
    %swap3A_27 = vector.shape_cast %transpose3A : vector<768x32xf32> to vector<1x768x32xf32>
    tpu.vector_store %arg5[%swap3A, %swap3A_23, %swap3A_24], %swap3A_27 {strides = array<i32>} : memref<1x768x32xf32, #tpu.memory_space<vmem>>, vector<1x768x32xf32>,
    %dot_general3A = arith.constant dense<0.000000e+00> : vector<2304x768xf32>
    %dot_general3A_28 = tpu.matmul %div3A_7, %div3A_22, %dot_general3A {dimension_numbers = #tpu.dot_dimension_numbers<[0], [0], [1], [1], [0, 1, 1, 1], [], []>, transpose_lhs_hint = false} : vector<32x2304xf32>, vector<32x768xf32>, vector<2304x768xf32> -> vector<2304x768xf32>
    %jit3A = arith.constant -1.000000e+00 : f32
    %jit3A_29 = arith.constant 1.000000e+00 : f32
    %max3A_30 = vector.broadcast %jit3A : f32 to vector<2304x768xf32>
    %max3A_31 = arith.maximumf %max3A_30, %dot_general3A_28 : vector<2304x768xf32>
    %min3A = vector.broadcast %jit3A_29 : f32 to vector<2304x768xf32>
    %min3A_32 = arith.minimumf %min3A, %max3A_31 : vector<2304x768xf32>
    %iota3A = tpu.iota {dimensions = array<i32: 1>} : vector<3x2304xi32>
    %iota3A_33 = tpu.iota {dimensions = array<i32: 0>} : vector<3x2304xi32>
    %eq3A = arith.constant 0 : i32
    %eq3A_34 = vector.broadcast %eq3A : i32 to vector<3x2304xi32>
    %eq3A_35 = arith.cmpi eq, %iota3A_33, %eq3A_34 : vector<3x2304xi32>
    %jit3A_36 = arith.constant 256 : i32
    %div3A_37 = vector.broadcast %jit3A_36 : i32 to vector<3x2304xi32>
    %div3A_38 = arith.divsi %iota3A, %div3A_37 : vector<3x2304xi32>
    %sign3A = arith.constant 0 : i32
    %sign3A_39 = vector.broadcast %sign3A : i32 to vector<3x2304xi32>
    %sign3A_40 = arith.cmpi sgt, %iota3A, %sign3A_39 : vector<3x2304xi32>
    %sign3A_41 = arith.extui %sign3A_40 : vector<3x2304xi1> to vector<3x2304xi32>
    %sign3A_42 = arith.constant 0 : i32
    %sign3A_43 = vector.broadcast %sign3A_42 : i32 to vector<3x2304xi32>
    %sign3A_44 = arith.cmpi slt, %iota3A, %sign3A_43 : vector<3x2304xi32>
    %sign3A_45 = arith.extui %sign3A_44 : vector<3x2304xi1> to vector<3x2304xi32>
    %sign3A_46 = arith.subi %sign3A_41, %sign3A_45 : vector<3x2304xi32>
    %sign3A_47 = arith.constant 0 : i32
    %sign3A_48 = arith.cmpi sgt, %jit3A_36, %sign3A_47 : i32
    %sign3A_49 = arith.extui %sign3A_48 : i1 to i32
    %sign3A_50 = arith.constant 0 : i32
    %sign3A_51 = arith.cmpi slt, %jit3A_36, %sign3A_50 : i32
    %sign3A_52 = arith.extui %sign3A_51 : i1 to i32
    %sign3A_53 = arith.subi %sign3A_49, %sign3A_52 : i32
    %ne3A = vector.broadcast %sign3A_53 : i32 to vector<3x2304xi32>
    %ne3A_54 = arith.cmpi ne, %sign3A_46, %ne3A : vector<3x2304xi32>
    %rem3A = vector.broadcast %jit3A_36 : i32 to vector<3x2304xi32>
    %rem3A_55 = arith.remsi %iota3A, %rem3A : vector<3x2304xi32>
    %ne3A_56 = arith.constant 0 : i32
    %ne3A_57 = vector.broadcast %ne3A_56 : i32 to vector<3x2304xi32>
    %ne3A_58 = arith.cmpi ne, %rem3A_55, %ne3A_57 : vector<3x2304xi32>
    %and3A = arith.andi %ne3A_54, %ne3A_58 : vector<3x2304xi1>
    %sub3A = arith.constant 1 : i32
    %sub3A_59 = vector.broadcast %sub3A : i32 to vector<3x2304xi32>
    %sub3A_60 = arith.subi %div3A_38, %sub3A_59 : vector<3x2304xi32>
    %select_n3A = arith.select %and3A, %sub3A_60, %div3A_38 : vector<3x2304xi1>, vector<3x2304xi32>
    %eq3A_61 = arith.constant 1 : i32
    %eq3A_62 = vector.broadcast %eq3A_61 : i32 to vector<3x2304xi32>
    %eq3A_63 = arith.cmpi eq, %iota3A_33, %eq3A_62 : vector<3x2304xi32>
    %jit3A_64 = arith.constant 256 : i32
    %eq3A_65 = arith.constant 0 : i32
    %eq3A_66 = arith.cmpi eq, %jit3A_64, %eq3A_65 : i32
    %jit3A_67 = arith.constant 1 : i32
    %select_n3A_68 = arith.select %eq3A_66, %jit3A_67, %jit3A_64 : i32
    %rem3A_69 = vector.broadcast %select_n3A_68 : i32 to vector<3x2304xi32>
    %rem3A_70 = arith.remsi %iota3A, %rem3A_69 : vector<3x2304xi32>
    %ne3A_71 = arith.constant 0 : i32
    %ne3A_72 = vector.broadcast %ne3A_71 : i32 to vector<3x2304xi32>
    %ne3A_73 = arith.cmpi ne, %rem3A_70, %ne3A_72 : vector<3x2304xi32>
    %lt3A = arith.constant 0 : i32
    %lt3A_74 = vector.broadcast %lt3A : i32 to vector<3x2304xi32>
    %lt3A_75 = arith.cmpi slt, %rem3A_70, %lt3A_74 : vector<3x2304xi32>
    %lt3A_76 = arith.constant 0 : i32
    %lt3A_77 = arith.cmpi slt, %select_n3A_68, %lt3A_76 : i32
    %ne3A_78 = vector.broadcast %lt3A_77 : i1 to vector<3x2304xi1>
    %ne3A_79 = vector.broadcast %ne3A_78 : vector<3x2304xi1> to vector<3x2304xi1>
    %ne3A_80 = arith.xori %lt3A_75, %ne3A_79 : vector<3x2304xi1>
    %and3A_81 = arith.andi %ne3A_80, %ne3A_73 : vector<3x2304xi1>
    %add3A = vector.broadcast %select_n3A_68 : i32 to vector<3x2304xi32>
    %add3A_82 = arith.addi %rem3A_70, %add3A : vector<3x2304xi32>
    %select_n3A_83 = arith.select %and3A_81, %add3A_82, %rem3A_70 : vector<3x2304xi1>, vector<3x2304xi32>
    %jit3A_84 = arith.constant 1 : i32
    %broadcast_in_dim3A_85 = vector.broadcast %jit3A_84 : i32 to vector<3x2304xi32>
    %select_n3A_86 = arith.select %eq3A_63, %select_n3A_83, %broadcast_in_dim3A_85 : vector<3x2304xi1>, vector<3x2304xi32>
    %select_n3A_87 = arith.select %eq3A_35, %select_n3A, %select_n3A_86 : vector<3x2304xi1>, vector<3x2304xi32>
    %convert_element_type3A = arith.sitofp %select_n3A_87 : vector<3x2304xi32> to vector<3x2304xbf16>
    %reduce_max3A = arith.constant dense<0xFF800000> : vector<768xf32>
    %reduce_max3A_88 = vector.multi_reduction <maximumf>, %min3A_32, %reduce_max3A [0] : vector<2304x768xf32> to vector<768xf32>
    %broadcast_in_dim3A_89 = vector.shape_cast %reduce_max3A_88 : vector<768xf32> to vector<1x768xf32>
    %ge3A = vector.broadcast %broadcast_in_dim3A_89 : vector<1x768xf32> to vector<2304x768xf32>
    %ge3A_90 = arith.cmpf oge, %min3A_32, %ge3A : vector<2304x768xf32>
    %jit3A_91 = arith.constant 1.000000e+00 : f32
    %jit3A_92 = arith.constant 0.000000e+00 : f32
    %broadcast_in_dim3A_93 = vector.broadcast %jit3A_91 : f32 to vector<2304x768xf32>
    %broadcast_in_dim3A_94 = vector.broadcast %jit3A_92 : f32 to vector<2304x768xf32>
    %select_n3A_95 = arith.select %ge3A_90, %broadcast_in_dim3A_93, %broadcast_in_dim3A_94 : vector<2304x768xi1>, vector<2304x768xf32>
    %convert_element_type3A_96 = arith.truncf %select_n3A_95 : vector<2304x768xf32> to vector<2304x768xbf16>
    %dot_general3A_97 = arith.constant dense<0.000000e+00> : vector<3x768xf32>
    %dot_general3A_98 = tpu.matmul %convert_element_type3A, %convert_element_type3A_96, %dot_general3A_97 {dimension_numbers = #tpu.dot_dimension_numbers<[1], [0], [0], [1], [0, 0, 1, 1], [], []>, transpose_lhs_hint = false} : vector<3x2304xbf16>, vector<2304x768xbf16>, vector<3x768xf32> -> vector<3x768xf32>
    %slice3A = vector.extract_strided_slice %dot_general3A_98 {offsets = [2, 0], sizes = [1, 768], strides = [1, 1]} : vector<3x768xf32> to vector<1x768xf32>
    %reduce_max3A_99 = vector.shape_cast %slice3A : vector<1x768xf32> to vector<1x1x768xf32>
    %reduce_max3A_100 = arith.constant dense<0xFF800000> : vector<1xf32>
    %reduce_max3A_101 = vector.multi_reduction <maximumf>, %reduce_max3A_99, %reduce_max3A_100 [1, 2] : vector<1x1x768xf32> to vector<1xf32>
    %reduce_max3A_102 = vector.shape_cast %reduce_max3A_101 : vector<1xf32> to vector<1x1x1xf32>
    %reduce_max3A_103 = vector.extract %reduce_max3A_102[0, 0, 0] : f32 from vector<1x1x1xf32>
    %gt3A = arith.constant 1.500000e+00 : f32
    %gt3A_104 = arith.cmpf ogt, %reduce_max3A_103, %gt3A : f32
    %or3A = arith.constant false
    %or3A_105 = arith.ori %or3A, %gt3A_104 : i1
    %slice3A_106 = vector.extract_strided_slice %dot_general3A_98 {offsets = [0, 0], sizes = [1, 768], strides = [1, 1]} : vector<3x768xf32> to vector<1x768xf32>
    %mul3A_107 = arith.constant 2.560000e+02 : f32
    %mul3A_108 = vector.broadcast %mul3A_107 : f32 to vector<1x768xf32>
    %mul3A_109 = arith.mulf %slice3A_106, %mul3A_108 : vector<1x768xf32>
    %slice3A_110 = vector.extract_strided_slice %dot_general3A_98 {offsets = [1, 0], sizes = [1, 768], strides = [1, 1]} : vector<3x768xf32> to vector<1x768xf32>
    %add3A_111 = arith.addf %mul3A_109, %slice3A_110 : vector<1x768xf32>
    %slice3A_112 = vector.extract_strided_slice %dot_general3A_98 {offsets = [2, 0], sizes = [1, 768], strides = [1, 1]} : vector<3x768xf32> to vector<1x768xf32>
    %div3A_113 = arith.divf %add3A_111, %slice3A_112 : vector<1x768xf32>
    %add3A_114 = arith.constant 5.000000e-01 : f32
    %add3A_115 = vector.broadcast %add3A_114 : f32 to vector<1x768xf32>
    %add3A_116 = arith.addf %div3A_113, %add3A_115 : vector<1x768xf32>
    %convert_element_type3A_117 = arith.fptosi %add3A_116 : vector<1x768xf32> to vector<1x768xi32>
    %jit3A_118 = arith.constant 0 : i32
    %jit3A_119 = arith.constant 2303 : i32
    %max3A_120 = vector.broadcast %jit3A_118 : i32 to vector<1x768xi32>
    %max3A_121 = arith.maxsi %max3A_120, %convert_element_type3A_117 : vector<1x768xi32>
    %min3A_122 = vector.broadcast %jit3A_119 : i32 to vector<1x768xi32>
    %min3A_123 = arith.minsi %min3A_122, %max3A_121 : vector<1x768xi32>
    %jit3A_124 = arith.constant -3.000000e+00 : f32
    %broadcast_in_dim3A_125 = vector.broadcast %jit3A_124 : f32 to vector<2304x768xf32>
    %select_n3A_126 = arith.select %ge3A_90, %broadcast_in_dim3A_125, %min3A_32 : vector<2304x768xi1>, vector<2304x768xf32>
    %reduce_max3A_127 = arith.constant dense<0xFF800000> : vector<768xf32>
    %reduce_max3A_128 = vector.multi_reduction <maximumf>, %select_n3A_126, %reduce_max3A_127 [0] : vector<2304x768xf32> to vector<768xf32>
    %broadcast_in_dim3A_129 = vector.shape_cast %reduce_max3A_128 : vector<768xf32> to vector<1x768xf32>
    %ge3A_130 = vector.broadcast %broadcast_in_dim3A_129 : vector<1x768xf32> to vector<2304x768xf32>
    %ge3A_131 = arith.cmpf oge, %select_n3A_126, %ge3A_130 : vector<2304x768xf32>
    %jit3A_132 = arith.constant 1.000000e+00 : f32
    %jit3A_133 = arith.constant 0.000000e+00 : f32
    %broadcast_in_dim3A_134 = vector.broadcast %jit3A_132 : f32 to vector<2304x768xf32>
    %broadcast_in_dim3A_135 = vector.broadcast %jit3A_133 : f32 to vector<2304x768xf32>
    %select_n3A_136 = arith.select %ge3A_131, %broadcast_in_dim3A_134, %broadcast_in_dim3A_135 : vector<2304x768xi1>, vector<2304x768xf32>
    %convert_element_type3A_137 = arith.truncf %select_n3A_136 : vector<2304x768xf32> to vector<2304x768xbf16>
    %dot_general3A_138 = arith.constant dense<0.000000e+00> : vector<3x768xf32>
    %dot_general3A_139 = tpu.matmul %convert_element_type3A, %convert_element_type3A_137, %dot_general3A_138 {dimension_numbers = #tpu.dot_dimension_numbers<[1], [0], [0], [1], [0, 0, 1, 1], [], []>, transpose_lhs_hint = false} : vector<3x2304xbf16>, vector<2304x768xbf16>, vector<3x768xf32> -> vector<3x768xf32>
    %slice3A_140 = vector.extract_strided_slice %dot_general3A_139 {offsets = [2, 0], sizes = [1, 768], strides = [1, 1]} : vector<3x768xf32> to vector<1x768xf32>
    %reduce_max3A_141 = vector.shape_cast %slice3A_140 : vector<1x768xf32> to vector<1x1x768xf32>
    %reduce_max3A_142 = arith.constant dense<0xFF800000> : vector<1xf32>
    %reduce_max3A_143 = vector.multi_reduction <maximumf>, %reduce_max3A_141, %reduce_max3A_142 [1, 2] : vector<1x1x768xf32> to vector<1xf32>
    %reduce_max3A_144 = vector.shape_cast %reduce_max3A_143 : vector<1xf32> to vector<1x1x1xf32>
    %reduce_max3A_145 = vector.extract %reduce_max3A_144[0, 0, 0] : f32 from vector<1x1x1xf32>
    %gt3A_146 = arith.constant 1.500000e+00 : f32
    %gt3A_147 = arith.cmpf ogt, %reduce_max3A_145, %gt3A_146 : f32
    %or3A_148 = arith.ori %or3A_105, %gt3A_147 : i1
    %slice3A_149 = vector.extract_strided_slice %dot_general3A_139 {offsets = [0, 0], sizes = [1, 768], strides = [1, 1]} : vector<3x768xf32> to vector<1x768xf32>
    %mul3A_150 = arith.constant 2.560000e+02 : f32
    %mul3A_151 = vector.broadcast %mul3A_150 : f32 to vector<1x768xf32>
    %mul3A_152 = arith.mulf %slice3A_149, %mul3A_151 : vector<1x768xf32>
    %slice3A_153 = vector.extract_strided_slice %dot_general3A_139 {offsets = [1, 0], sizes = [1, 768], strides = [1, 1]} : vector<3x768xf32> to vector<1x768xf32>
    %add3A_154 = arith.addf %mul3A_152, %slice3A_153 : vector<1x768xf32>
    %slice3A_155 = vector.extract_strided_slice %dot_general3A_139 {offsets = [2, 0], sizes = [1, 768], strides = [1, 1]} : vector<3x768xf32> to vector<1x768xf32>
    %div3A_156 = arith.divf %add3A_154, %slice3A_155 : vector<1x768xf32>
    %add3A_157 = arith.constant 5.000000e-01 : f32
    %add3A_158 = vector.broadcast %add3A_157 : f32 to vector<1x768xf32>
    %add3A_159 = arith.addf %div3A_156, %add3A_158 : vector<1x768xf32>
    %convert_element_type3A_160 = arith.fptosi %add3A_159 : vector<1x768xf32> to vector<1x768xi32>
    %jit3A_161 = arith.constant 0 : i32
    %jit3A_162 = arith.constant 2303 : i32
    %max3A_163 = vector.broadcast %jit3A_161 : i32 to vector<1x768xi32>
    %max3A_164 = arith.maxsi %max3A_163, %convert_element_type3A_160 : vector<1x768xi32>
    %min3A_165 = vector.broadcast %jit3A_162 : i32 to vector<1x768xi32>
    %min3A_166 = arith.minsi %min3A_165, %max3A_164 : vector<1x768xi32>
    %jit3A_167 = arith.constant -3.000000e+00 : f32
    %broadcast_in_dim3A_168 = vector.broadcast %jit3A_167 : f32 to vector<2304x768xf32>
    %select_n3A_169 = arith.select %ge3A_131, %broadcast_in_dim3A_168, %select_n3A_126 : vector<2304x768xi1>, vector<2304x768xf32>
    %reduce_max3A_170 = arith.constant dense<0xFF800000> : vector<768xf32>
    %reduce_max3A_171 = vector.multi_reduction <maximumf>, %select_n3A_169, %reduce_max3A_170 [0] : vector<2304x768xf32> to vector<768xf32>
    %broadcast_in_dim3A_172 = vector.shape_cast %reduce_max3A_171 : vector<768xf32> to vector<1x768xf32>
    %ge3A_173 = vector.broadcast %broadcast_in_dim3A_172 : vector<1x768xf32> to vector<2304x768xf32>
    %ge3A_174 = arith.cmpf oge, %select_n3A_169, %ge3A_173 : vector<2304x768xf32>
    %jit3A_175 = arith.constant 1.000000e+00 : f32
    %jit3A_176 = arith.constant 0.000000e+00 : f32
    %broadcast_in_dim3A_177 = vector.broadcast %jit3A_175 : f32 to vector<2304x768xf32>
    %broadcast_in_dim3A_178 = vector.broadcast %jit3A_176 : f32 to vector<2304x768xf32>
    %select_n3A_179 = arith.select %ge3A_174, %broadcast_in_dim3A_177, %broadcast_in_dim3A_178 : vector<2304x768xi1>, vector<2304x768xf32>
    %convert_element_type3A_180 = arith.truncf %select_n3A_179 : vector<2304x768xf32> to vector<2304x768xbf16>
    %dot_general3A_181 = arith.constant dense<0.000000e+00> : vector<3x768xf32>
    %dot_general3A_182 = tpu.matmul %convert_element_type3A, %convert_element_type3A_180, %dot_general3A_181 {dimension_numbers = #tpu.dot_dimension_numbers<[1], [0], [0], [1], [0, 0, 1, 1], [], []>, transpose_lhs_hint = false} : vector<3x2304xbf16>, vector<2304x768xbf16>, vector<3x768xf32> -> vector<3x768xf32>
    %slice3A_183 = vector.extract_strided_slice %dot_general3A_182 {offsets = [2, 0], sizes = [1, 768], strides = [1, 1]} : vector<3x768xf32> to vector<1x768xf32>
    %reduce_max3A_184 = vector.shape_cast %slice3A_183 : vector<1x768xf32> to vector<1x1x768xf32>
    %reduce_max3A_185 = arith.constant dense<0xFF800000> : vector<1xf32>
    %reduce_max3A_186 = vector.multi_reduction <maximumf>, %reduce_max3A_184, %reduce_max3A_185 [1, 2] : vector<1x1x768xf32> to vector<1xf32>
    %reduce_max3A_187 = vector.shape_cast %reduce_max3A_186 : vector<1xf32> to vector<1x1x1xf32>
    %reduce_max3A_188 = vector.extract %reduce_max3A_187[0, 0, 0] : f32 from vector<1x1x1xf32>
    %gt3A_189 = arith.constant 1.500000e+00 : f32
    %gt3A_190 = arith.cmpf ogt, %reduce_max3A_188, %gt3A_189 : f32
    %or3A_191 = arith.ori %or3A_148, %gt3A_190 : i1
    %slice3A_192 = vector.extract_strided_slice %dot_general3A_182 {offsets = [0, 0], sizes = [1, 768], strides = [1, 1]} : vector<3x768xf32> to vector<1x768xf32>
    %mul3A_193 = arith.constant 2.560000e+02 : f32
    %mul3A_194 = vector.broadcast %mul3A_193 : f32 to vector<1x768xf32>
    %mul3A_195 = arith.mulf %slice3A_192, %mul3A_194 : vector<1x768xf32>
    %slice3A_196 = vector.extract_strided_slice %dot_general3A_182 {offsets = [1, 0], sizes = [1, 768], strides = [1, 1]} : vector<3x768xf32> to vector<1x768xf32>
    %add3A_197 = arith.addf %mul3A_195, %slice3A_196 : vector<1x768xf32>
    %slice3A_198 = vector.extract_strided_slice %dot_general3A_182 {offsets = [2, 0], sizes = [1, 768], strides = [1, 1]} : vector<3x768xf32> to vector<1x768xf32>
    %div3A_199 = arith.divf %add3A_197, %slice3A_198 : vector<1x768xf32>
    %add3A_200 = arith.constant 5.000000e-01 : f32
    %add3A_201 = vector.broadcast %add3A_200 : f32 to vector<1x768xf32>
    %add3A_202 = arith.addf %div3A_199, %add3A_201 : vector<1x768xf32>
    %convert_element_type3A_203 = arith.fptosi %add3A_202 : vector<1x768xf32> to vector<1x768xi32>
    %jit3A_204 = arith.constant 0 : i32
    %jit3A_205 = arith.constant 2303 : i32
    %max3A_206 = vector.broadcast %jit3A_204 : i32 to vector<1x768xi32>
    %max3A_207 = arith.maxsi %max3A_206, %convert_element_type3A_203 : vector<1x768xi32>
    %min3A_208 = vector.broadcast %jit3A_205 : i32 to vector<1x768xi32>
    %min3A_209 = arith.minsi %min3A_208, %max3A_207 : vector<1x768xi32>
    %jit3A_210 = arith.constant -3.000000e+00 : f32
    %broadcast_in_dim3A_211 = vector.broadcast %jit3A_210 : f32 to vector<2304x768xf32>
    %select_n3A_212 = arith.select %ge3A_174, %broadcast_in_dim3A_211, %select_n3A_169 : vector<2304x768xi1>, vector<2304x768xf32>
    %reduce_max3A_213 = arith.constant dense<0xFF800000> : vector<768xf32>
    %reduce_max3A_214 = vector.multi_reduction <maximumf>, %select_n3A_212, %reduce_max3A_213 [0] : vector<2304x768xf32> to vector<768xf32>
    %broadcast_in_dim3A_215 = vector.shape_cast %reduce_max3A_214 : vector<768xf32> to vector<1x768xf32>
    %ge3A_216 = vector.broadcast %broadcast_in_dim3A_215 : vector<1x768xf32> to vector<2304x768xf32>
    %ge3A_217 = arith.cmpf oge, %select_n3A_212, %ge3A_216 : vector<2304x768xf32>
    %jit3A_218 = arith.constant 1.000000e+00 : f32
    %jit3A_219 = arith.constant 0.000000e+00 : f32
    %broadcast_in_dim3A_220 = vector.broadcast %jit3A_218 : f32 to vector<2304x768xf32>
    %broadcast_in_dim3A_221 = vector.broadcast %jit3A_219 : f32 to vector<2304x768xf32>
    %select_n3A_222 = arith.select %ge3A_217, %broadcast_in_dim3A_220, %broadcast_in_dim3A_221 : vector<2304x768xi1>, vector<2304x768xf32>
    %convert_element_type3A_223 = arith.truncf %select_n3A_222 : vector<2304x768xf32> to vector<2304x768xbf16>
    %dot_general3A_224 = arith.constant dense<0.000000e+00> : vector<3x768xf32>
    %dot_general3A_225 = tpu.matmul %convert_element_type3A, %convert_element_type3A_223, %dot_general3A_224 {dimension_numbers = #tpu.dot_dimension_numbers<[1], [0], [0], [1], [0, 0, 1, 1], [], []>, transpose_lhs_hint = false} : vector<3x2304xbf16>, vector<2304x768xbf16>, vector<3x768xf32> -> vector<3x768xf32>
    %slice3A_226 = vector.extract_strided_slice %dot_general3A_225 {offsets = [2, 0], sizes = [1, 768], strides = [1, 1]} : vector<3x768xf32> to vector<1x768xf32>
    %reduce_max3A_227 = vector.shape_cast %slice3A_226 : vector<1x768xf32> to vector<1x1x768xf32>
    %reduce_max3A_228 = arith.constant dense<0xFF800000> : vector<1xf32>
    %reduce_max3A_229 = vector.multi_reduction <maximumf>, %reduce_max3A_227, %reduce_max3A_228 [1, 2] : vector<1x1x768xf32> to vector<1xf32>
    %reduce_max3A_230 = vector.shape_cast %reduce_max3A_229 : vector<1xf32> to vector<1x1x1xf32>
    %reduce_max3A_231 = vector.extract %reduce_max3A_230[0, 0, 0] : f32 from vector<1x1x1xf32>
    %gt3A_232 = arith.constant 1.500000e+00 : f32
    %gt3A_233 = arith.cmpf ogt, %reduce_max3A_231, %gt3A_232 : f32
    %or3A_234 = arith.ori %or3A_191, %gt3A_233 : i1
    %slice3A_235 = vector.extract_strided_slice %dot_general3A_225 {offsets = [0, 0], sizes = [1, 768], strides = [1, 1]} : vector<3x768xf32> to vector<1x768xf32>
    %mul3A_236 = arith.constant 2.560000e+02 : f32
    %mul3A_237 = vector.broadcast %mul3A_236 : f32 to vector<1x768xf32>
    %mul3A_238 = arith.mulf %slice3A_235, %mul3A_237 : vector<1x768xf32>
    %slice3A_239 = vector.extract_strided_slice %dot_general3A_225 {offsets = [1, 0], sizes = [1, 768], strides = [1, 1]} : vector<3x768xf32> to vector<1x768xf32>
    %add3A_240 = arith.addf %mul3A_238, %slice3A_239 : vector<1x768xf32>
    %slice3A_241 = vector.extract_strided_slice %dot_general3A_225 {offsets = [2, 0], sizes = [1, 768], strides = [1, 1]} : vector<3x768xf32> to vector<1x768xf32>
    %div3A_242 = arith.divf %add3A_240, %slice3A_241 : vector<1x768xf32>
    %add3A_243 = arith.constant 5.000000e-01 : f32
    %add3A_244 = vector.broadcast %add3A_243 : f32 to vector<1x768xf32>
    %add3A_245 = arith.addf %div3A_242, %add3A_244 : vector<1x768xf32>
    %convert_element_type3A_246 = arith.fptosi %add3A_245 : vector<1x768xf32> to vector<1x768xi32>
    %jit3A_247 = arith.constant 0 : i32
    %jit3A_248 = arith.constant 2303 : i32
    %max3A_249 = vector.broadcast %jit3A_247 : i32 to vector<1x768xi32>
    %max3A_250 = arith.maxsi %max3A_249, %convert_element_type3A_246 : vector<1x768xi32>
    %min3A_251 = vector.broadcast %jit3A_248 : i32 to vector<1x768xi32>
    %min3A_252 = arith.minsi %min3A_251, %max3A_250 : vector<1x768xi32>
    %jit3A_253 = arith.constant -3.000000e+00 : f32
    %broadcast_in_dim3A_254 = vector.broadcast %jit3A_253 : f32 to vector<2304x768xf32>
    %select_n3A_255 = arith.select %ge3A_217, %broadcast_in_dim3A_254, %select_n3A_212 : vector<2304x768xi1>, vector<2304x768xf32>
    %reduce_max3A_256 = arith.constant dense<0xFF800000> : vector<768xf32>
    %reduce_max3A_257 = vector.multi_reduction <maximumf>, %select_n3A_255, %reduce_max3A_256 [0] : vector<2304x768xf32> to vector<768xf32>
    %broadcast_in_dim3A_258 = vector.shape_cast %reduce_max3A_257 : vector<768xf32> to vector<1x768xf32>
    %ge3A_259 = vector.broadcast %broadcast_in_dim3A_258 : vector<1x768xf32> to vector<2304x768xf32>
    %ge3A_260 = arith.cmpf oge, %select_n3A_255, %ge3A_259 : vector<2304x768xf32>
    %jit3A_261 = arith.constant 1.000000e+00 : f32
    %jit3A_262 = arith.constant 0.000000e+00 : f32
    %broadcast_in_dim3A_263 = vector.broadcast %jit3A_261 : f32 to vector<2304x768xf32>
    %broadcast_in_dim3A_264 = vector.broadcast %jit3A_262 : f32 to vector<2304x768xf32>
    %select_n3A_265 = arith.select %ge3A_260, %broadcast_in_dim3A_263, %broadcast_in_dim3A_264 : vector<2304x768xi1>, vector<2304x768xf32>
    %convert_element_type3A_266 = arith.truncf %select_n3A_265 : vector<2304x768xf32> to vector<2304x768xbf16>
    %dot_general3A_267 = arith.constant dense<0.000000e+00> : vector<3x768xf32>
    %dot_general3A_268 = tpu.matmul %convert_element_type3A, %convert_element_type3A_266, %dot_general3A_267 {dimension_numbers = #tpu.dot_dimension_numbers<[1], [0], [0], [1], [0, 0, 1, 1], [], []>, transpose_lhs_hint = false} : vector<3x2304xbf16>, vector<2304x768xbf16>, vector<3x768xf32> -> vector<3x768xf32>
    %slice3A_269 = vector.extract_strided_slice %dot_general3A_268 {offsets = [2, 0], sizes = [1, 768], strides = [1, 1]} : vector<3x768xf32> to vector<1x768xf32>
    %reduce_max3A_270 = vector.shape_cast %slice3A_269 : vector<1x768xf32> to vector<1x1x768xf32>
    %reduce_max3A_271 = arith.constant dense<0xFF800000> : vector<1xf32>
    %reduce_max3A_272 = vector.multi_reduction <maximumf>, %reduce_max3A_270, %reduce_max3A_271 [1, 2] : vector<1x1x768xf32> to vector<1xf32>
    %reduce_max3A_273 = vector.shape_cast %reduce_max3A_272 : vector<1xf32> to vector<1x1x1xf32>
    %reduce_max3A_274 = vector.extract %reduce_max3A_273[0, 0, 0] : f32 from vector<1x1x1xf32>
    %gt3A_275 = arith.constant 1.500000e+00 : f32
    %gt3A_276 = arith.cmpf ogt, %reduce_max3A_274, %gt3A_275 : f32
    %or3A_277 = arith.ori %or3A_234, %gt3A_276 : i1
    %slice3A_278 = vector.extract_strided_slice %dot_general3A_268 {offsets = [0, 0], sizes = [1, 768], strides = [1, 1]} : vector<3x768xf32> to vector<1x768xf32>
    %mul3A_279 = arith.constant 2.560000e+02 : f32
    %mul3A_280 = vector.broadcast %mul3A_279 : f32 to vector<1x768xf32>
    %mul3A_281 = arith.mulf %slice3A_278, %mul3A_280 : vector<1x768xf32>
    %slice3A_282 = vector.extract_strided_slice %dot_general3A_268 {offsets = [1, 0], sizes = [1, 768], strides = [1, 1]} : vector<3x768xf32> to vector<1x768xf32>
    %add3A_283 = arith.addf %mul3A_281, %slice3A_282 : vector<1x768xf32>
    %slice3A_284 = vector.extract_strided_slice %dot_general3A_268 {offsets = [2, 0], sizes = [1, 768], strides = [1, 1]} : vector<3x768xf32> to vector<1x768xf32>
    %div3A_285 = arith.divf %add3A_283, %slice3A_284 : vector<1x768xf32>
    %add3A_286 = arith.constant 5.000000e-01 : f32
    %add3A_287 = vector.broadcast %add3A_286 : f32 to vector<1x768xf32>
    %add3A_288 = arith.addf %div3A_285, %add3A_287 : vector<1x768xf32>
    %convert_element_type3A_289 = arith.fptosi %add3A_288 : vector<1x768xf32> to vector<1x768xi32>
    %jit3A_290 = arith.constant 0 : i32
    %jit3A_291 = arith.constant 2303 : i32
    %max3A_292 = vector.broadcast %jit3A_290 : i32 to vector<1x768xi32>
    %max3A_293 = arith.maxsi %max3A_292, %convert_element_type3A_289 : vector<1x768xi32>
    %min3A_294 = vector.broadcast %jit3A_291 : i32 to vector<1x768xi32>
    %min3A_295 = arith.minsi %min3A_294, %max3A_293 : vector<1x768xi32>
    %jit3A_296 = arith.constant -3.000000e+00 : f32
    %broadcast_in_dim3A_297 = vector.broadcast %jit3A_296 : f32 to vector<2304x768xf32>
    %select_n3A_298 = arith.select %ge3A_260, %broadcast_in_dim3A_297, %select_n3A_255 : vector<2304x768xi1>, vector<2304x768xf32>
    %reduce_max3A_299 = arith.constant dense<0xFF800000> : vector<768xf32>
    %reduce_max3A_300 = vector.multi_reduction <maximumf>, %select_n3A_298, %reduce_max3A_299 [0] : vector<2304x768xf32> to vector<768xf32>
    %broadcast_in_dim3A_301 = vector.shape_cast %reduce_max3A_300 : vector<768xf32> to vector<1x768xf32>
    %ge3A_302 = vector.broadcast %broadcast_in_dim3A_301 : vector<1x768xf32> to vector<2304x768xf32>
    %ge3A_303 = arith.cmpf oge, %select_n3A_298, %ge3A_302 : vector<2304x768xf32>
    %jit3A_304 = arith.constant 1.000000e+00 : f32
    %jit3A_305 = arith.constant 0.000000e+00 : f32
    %broadcast_in_dim3A_306 = vector.broadcast %jit3A_304 : f32 to vector<2304x768xf32>
    %broadcast_in_dim3A_307 = vector.broadcast %jit3A_305 : f32 to vector<2304x768xf32>
    %select_n3A_308 = arith.select %ge3A_303, %broadcast_in_dim3A_306, %broadcast_in_dim3A_307 : vector<2304x768xi1>, vector<2304x768xf32>
    %convert_element_type3A_309 = arith.truncf %select_n3A_308 : vector<2304x768xf32> to vector<2304x768xbf16>
    %dot_general3A_310 = arith.constant dense<0.000000e+00> : vector<3x768xf32>
    %dot_general3A_311 = tpu.matmul %convert_element_type3A, %convert_element_type3A_309, %dot_general3A_310 {dimension_numbers = #tpu.dot_dimension_numbers<[1], [0], [0], [1], [0, 0, 1, 1], [], []>, transpose_lhs_hint = false} : vector<3x2304xbf16>, vector<2304x768xbf16>, vector<3x768xf32> -> vector<3x768xf32>
    %slice3A_312 = vector.extract_strided_slice %dot_general3A_311 {offsets = [2, 0], sizes = [1, 768], strides = [1, 1]} : vector<3x768xf32> to vector<1x768xf32>
    %reduce_max3A_313 = vector.shape_cast %slice3A_312 : vector<1x768xf32> to vector<1x1x768xf32>
    %reduce_max3A_314 = arith.constant dense<0xFF800000> : vector<1xf32>
    %reduce_max3A_315 = vector.multi_reduction <maximumf>, %reduce_max3A_313, %reduce_max3A_314 [1, 2] : vector<1x1x768xf32> to vector<1xf32>
    %reduce_max3A_316 = vector.shape_cast %reduce_max3A_315 : vector<1xf32> to vector<1x1x1xf32>
    %reduce_max3A_317 = vector.extract %reduce_max3A_316[0, 0, 0] : f32 from vector<1x1x1xf32>
    %gt3A_318 = arith.constant 1.500000e+00 : f32
    %gt3A_319 = arith.cmpf ogt, %reduce_max3A_317, %gt3A_318 : f32
    %or3A_320 = arith.ori %or3A_277, %gt3A_319 : i1
    %slice3A_321 = vector.extract_strided_slice %dot_general3A_311 {offsets = [0, 0], sizes = [1, 768], strides = [1, 1]} : vector<3x768xf32> to vector<1x768xf32>
    %mul3A_322 = arith.constant 2.560000e+02 : f32
    %mul3A_323 = vector.broadcast %mul3A_322 : f32 to vector<1x768xf32>
    %mul3A_324 = arith.mulf %slice3A_321, %mul3A_323 : vector<1x768xf32>
    %slice3A_325 = vector.extract_strided_slice %dot_general3A_311 {offsets = [1, 0], sizes = [1, 768], strides = [1, 1]} : vector<3x768xf32> to vector<1x768xf32>
    %add3A_326 = arith.addf %mul3A_324, %slice3A_325 : vector<1x768xf32>
    %slice3A_327 = vector.extract_strided_slice %dot_general3A_311 {offsets = [2, 0], sizes = [1, 768], strides = [1, 1]} : vector<3x768xf32> to vector<1x768xf32>
    %div3A_328 = arith.divf %add3A_326, %slice3A_327 : vector<1x768xf32>
    %add3A_329 = arith.constant 5.000000e-01 : f32
    %add3A_330 = vector.broadcast %add3A_329 : f32 to vector<1x768xf32>
    %add3A_331 = arith.addf %div3A_328, %add3A_330 : vector<1x768xf32>
    %convert_element_type3A_332 = arith.fptosi %add3A_331 : vector<1x768xf32> to vector<1x768xi32>
    %jit3A_333 = arith.constant 0 : i32
    %jit3A_334 = arith.constant 2303 : i32
    %max3A_335 = vector.broadcast %jit3A_333 : i32 to vector<1x768xi32>
    %max3A_336 = arith.maxsi %max3A_335, %convert_element_type3A_332 : vector<1x768xi32>
    %min3A_337 = vector.broadcast %jit3A_334 : i32 to vector<1x768xi32>
    %min3A_338 = arith.minsi %min3A_337, %max3A_336 : vector<1x768xi32>
    %jit3A_339 = arith.constant -3.000000e+00 : f32
    %broadcast_in_dim3A_340 = vector.broadcast %jit3A_339 : f32 to vector<2304x768xf32>
    %select_n3A_341 = arith.select %ge3A_303, %broadcast_in_dim3A_340, %select_n3A_298 : vector<2304x768xi1>, vector<2304x768xf32>
    %reduce_max3A_342 = arith.constant dense<0xFF800000> : vector<768xf32>
    %reduce_max3A_343 = vector.multi_reduction <maximumf>, %select_n3A_341, %reduce_max3A_342 [0] : vector<2304x768xf32> to vector<768xf32>
    %broadcast_in_dim3A_344 = vector.shape_cast %reduce_max3A_343 : vector<768xf32> to vector<1x768xf32>
    %ge3A_345 = vector.broadcast %broadcast_in_dim3A_344 : vector<1x768xf32> to vector<2304x768xf32>
    %ge3A_346 = arith.cmpf oge, %select_n3A_341, %ge3A_345 : vector<2304x768xf32>
    %jit3A_347 = arith.constant 1.000000e+00 : f32
    %jit3A_348 = arith.constant 0.000000e+00 : f32
    %broadcast_in_dim3A_349 = vector.broadcast %jit3A_347 : f32 to vector<2304x768xf32>
    %broadcast_in_dim3A_350 = vector.broadcast %jit3A_348 : f32 to vector<2304x768xf32>
    %select_n3A_351 = arith.select %ge3A_346, %broadcast_in_dim3A_349, %broadcast_in_dim3A_350 : vector<2304x768xi1>, vector<2304x768xf32>
    %convert_element_type3A_352 = arith.truncf %select_n3A_351 : vector<2304x768xf32> to vector<2304x768xbf16>
    %dot_general3A_353 = arith.constant dense<0.000000e+00> : vector<3x768xf32>
    %dot_general3A_354 = tpu.matmul %convert_element_type3A, %convert_element_type3A_352, %dot_general3A_353 {dimension_numbers = #tpu.dot_dimension_numbers<[1], [0], [0], [1], [0, 0, 1, 1], [], []>, transpose_lhs_hint = false} : vector<3x2304xbf16>, vector<2304x768xbf16>, vector<3x768xf32> -> vector<3x768xf32>
    %slice3A_355 = vector.extract_strided_slice %dot_general3A_354 {offsets = [2, 0], sizes = [1, 768], strides = [1, 1]} : vector<3x768xf32> to vector<1x768xf32>
    %reduce_max3A_356 = vector.shape_cast %slice3A_355 : vector<1x768xf32> to vector<1x1x768xf32>
    %reduce_max3A_357 = arith.constant dense<0xFF800000> : vector<1xf32>
    %reduce_max3A_358 = vector.multi_reduction <maximumf>, %reduce_max3A_356, %reduce_max3A_357 [1, 2] : vector<1x1x768xf32> to vector<1xf32>
    %reduce_max3A_359 = vector.shape_cast %reduce_max3A_358 : vector<1xf32> to vector<1x1x1xf32>
    %reduce_max3A_360 = vector.extract %reduce_max3A_359[0, 0, 0] : f32 from vector<1x1x1xf32>
    %gt3A_361 = arith.constant 1.500000e+00 : f32
    %gt3A_362 = arith.cmpf ogt, %reduce_max3A_360, %gt3A_361 : f32
    %or3A_363 = arith.ori %or3A_320, %gt3A_362 : i1
    %slice3A_364 = vector.extract_strided_slice %dot_general3A_354 {offsets = [0, 0], sizes = [1, 768], strides = [1, 1]} : vector<3x768xf32> to vector<1x768xf32>
    %mul3A_365 = arith.constant 2.560000e+02 : f32
    %mul3A_366 = vector.broadcast %mul3A_365 : f32 to vector<1x768xf32>
    %mul3A_367 = arith.mulf %slice3A_364, %mul3A_366 : vector<1x768xf32>
    %slice3A_368 = vector.extract_strided_slice %dot_general3A_354 {offsets = [1, 0], sizes = [1, 768], strides = [1, 1]} : vector<3x768xf32> to vector<1x768xf32>
    %add3A_369 = arith.addf %mul3A_367, %slice3A_368 : vector<1x768xf32>
    %slice3A_370 = vector.extract_strided_slice %dot_general3A_354 {offsets = [2, 0], sizes = [1, 768], strides = [1, 1]} : vector<3x768xf32> to vector<1x768xf32>
    %div3A_371 = arith.divf %add3A_369, %slice3A_370 : vector<1x768xf32>
    %add3A_372 = arith.constant 5.000000e-01 : f32
    %add3A_373 = vector.broadcast %add3A_372 : f32 to vector<1x768xf32>
    %add3A_374 = arith.addf %div3A_371, %add3A_373 : vector<1x768xf32>
    %convert_element_type3A_375 = arith.fptosi %add3A_374 : vector<1x768xf32> to vector<1x768xi32>
    %jit3A_376 = arith.constant 0 : i32
    %jit3A_377 = arith.constant 2303 : i32
    %max3A_378 = vector.broadcast %jit3A_376 : i32 to vector<1x768xi32>
    %max3A_379 = arith.maxsi %max3A_378, %convert_element_type3A_375 : vector<1x768xi32>
    %min3A_380 = vector.broadcast %jit3A_377 : i32 to vector<1x768xi32>
    %min3A_381 = arith.minsi %min3A_380, %max3A_379 : vector<1x768xi32>
    %jit3A_382 = arith.constant -3.000000e+00 : f32
    %broadcast_in_dim3A_383 = vector.broadcast %jit3A_382 : f32 to vector<2304x768xf32>
    %select_n3A_384 = arith.select %ge3A_346, %broadcast_in_dim3A_383, %select_n3A_341 : vector<2304x768xi1>, vector<2304x768xf32>
    %reduce_max3A_385 = arith.constant dense<0xFF800000> : vector<768xf32>
    %reduce_max3A_386 = vector.multi_reduction <maximumf>, %select_n3A_384, %reduce_max3A_385 [0] : vector<2304x768xf32> to vector<768xf32>
    %broadcast_in_dim3A_387 = vector.shape_cast %reduce_max3A_386 : vector<768xf32> to vector<1x768xf32>
    %ge3A_388 = vector.broadcast %broadcast_in_dim3A_387 : vector<1x768xf32> to vector<2304x768xf32>
    %ge3A_389 = arith.cmpf oge, %select_n3A_384, %ge3A_388 : vector<2304x768xf32>
    %jit3A_390 = arith.constant 1.000000e+00 : f32
    %jit3A_391 = arith.constant 0.000000e+00 : f32
    %broadcast_in_dim3A_392 = vector.broadcast %jit3A_390 : f32 to vector<2304x768xf32>
    %broadcast_in_dim3A_393 = vector.broadcast %jit3A_391 : f32 to vector<2304x768xf32>
    %select_n3A_394 = arith.select %ge3A_389, %broadcast_in_dim3A_392, %broadcast_in_dim3A_393 : vector<2304x768xi1>, vector<2304x768xf32>
    %convert_element_type3A_395 = arith.truncf %select_n3A_394 : vector<2304x768xf32> to vector<2304x768xbf16>
    %dot_general3A_396 = arith.constant dense<0.000000e+00> : vector<3x768xf32>
    %dot_general3A_397 = tpu.matmul %convert_element_type3A, %convert_element_type3A_395, %dot_general3A_396 {dimension_numbers = #tpu.dot_dimension_numbers<[1], [0], [0], [1], [0, 0, 1, 1], [], []>, transpose_lhs_hint = false} : vector<3x2304xbf16>, vector<2304x768xbf16>, vector<3x768xf32> -> vector<3x768xf32>
    %slice3A_398 = vector.extract_strided_slice %dot_general3A_397 {offsets = [2, 0], sizes = [1, 768], strides = [1, 1]} : vector<3x768xf32> to vector<1x768xf32>
    %reduce_max3A_399 = vector.shape_cast %slice3A_398 : vector<1x768xf32> to vector<1x1x768xf32>
    %reduce_max3A_400 = arith.constant dense<0xFF800000> : vector<1xf32>
    %reduce_max3A_401 = vector.multi_reduction <maximumf>, %reduce_max3A_399, %reduce_max3A_400 [1, 2] : vector<1x1x768xf32> to vector<1xf32>
    %reduce_max3A_402 = vector.shape_cast %reduce_max3A_401 : vector<1xf32> to vector<1x1x1xf32>
    %reduce_max3A_403 = vector.extract %reduce_max3A_402[0, 0, 0] : f32 from vector<1x1x1xf32>
    %gt3A_404 = arith.constant 1.500000e+00 : f32
    %gt3A_405 = arith.cmpf ogt, %reduce_max3A_403, %gt3A_404 : f32
    %or3A_406 = arith.ori %or3A_363, %gt3A_405 : i1
    %slice3A_407 = vector.extract_strided_slice %dot_general3A_397 {offsets = [0, 0], sizes = [1, 768], strides = [1, 1]} : vector<3x768xf32> to vector<1x768xf32>
    %mul3A_408 = arith.constant 2.560000e+02 : f32
    %mul3A_409 = vector.broadcast %mul3A_408 : f32 to vector<1x768xf32>
    %mul3A_410 = arith.mulf %slice3A_407, %mul3A_409 : vector<1x768xf32>
    %slice3A_411 = vector.extract_strided_slice %dot_general3A_397 {offsets = [1, 0], sizes = [1, 768], strides = [1, 1]} : vector<3x768xf32> to vector<1x768xf32>
    %add3A_412 = arith.addf %mul3A_410, %slice3A_411 : vector<1x768xf32>
    %slice3A_413 = vector.extract_strided_slice %dot_general3A_397 {offsets = [2, 0], sizes = [1, 768], strides = [1, 1]} : vector<3x768xf32> to vector<1x768xf32>
    %div3A_414 = arith.divf %add3A_412, %slice3A_413 : vector<1x768xf32>
    %add3A_415 = arith.constant 5.000000e-01 : f32
    %add3A_416 = vector.broadcast %add3A_415 : f32 to vector<1x768xf32>
    %add3A_417 = arith.addf %div3A_414, %add3A_416 : vector<1x768xf32>
    %convert_element_type3A_418 = arith.fptosi %add3A_417 : vector<1x768xf32> to vector<1x768xi32>
    %jit3A_419 = arith.constant 0 : i32
    %jit3A_420 = arith.constant 2303 : i32
    %max3A_421 = vector.broadcast %jit3A_419 : i32 to vector<1x768xi32>
    %max3A_422 = arith.maxsi %max3A_421, %convert_element_type3A_418 : vector<1x768xi32>
    %min3A_423 = vector.broadcast %jit3A_420 : i32 to vector<1x768xi32>
    %min3A_424 = arith.minsi %min3A_423, %max3A_422 : vector<1x768xi32>
    %jit3A_425 = arith.constant -3.000000e+00 : f32
    %broadcast_in_dim3A_426 = vector.broadcast %jit3A_425 : f32 to vector<2304x768xf32>
    %select_n3A_427 = arith.select %ge3A_389, %broadcast_in_dim3A_426, %select_n3A_384 : vector<2304x768xi1>, vector<2304x768xf32>
    %reduce_max3A_428 = arith.constant dense<0xFF800000> : vector<768xf32>
    %reduce_max3A_429 = vector.multi_reduction <maximumf>, %select_n3A_427, %reduce_max3A_428 [0] : vector<2304x768xf32> to vector<768xf32>
    %broadcast_in_dim3A_430 = vector.shape_cast %reduce_max3A_429 : vector<768xf32> to vector<1x768xf32>
    %ge3A_431 = vector.broadcast %broadcast_in_dim3A_430 : vector<1x768xf32> to vector<2304x768xf32>
    %ge3A_432 = arith.cmpf oge, %select_n3A_427, %ge3A_431 : vector<2304x768xf32>
    %jit3A_433 = arith.constant 1.000000e+00 : f32
    %jit3A_434 = arith.constant 0.000000e+00 : f32
    %broadcast_in_dim3A_435 = vector.broadcast %jit3A_433 : f32 to vector<2304x768xf32>
    %broadcast_in_dim3A_436 = vector.broadcast %jit3A_434 : f32 to vector<2304x768xf32>
    %select_n3A_437 = arith.select %ge3A_432, %broadcast_in_dim3A_435, %broadcast_in_dim3A_436 : vector<2304x768xi1>, vector<2304x768xf32>
    %convert_element_type3A_438 = arith.truncf %select_n3A_437 : vector<2304x768xf32> to vector<2304x768xbf16>
    %dot_general3A_439 = arith.constant dense<0.000000e+00> : vector<3x768xf32>
    %dot_general3A_440 = tpu.matmul %convert_element_type3A, %convert_element_type3A_438, %dot_general3A_439 {dimension_numbers = #tpu.dot_dimension_numbers<[1], [0], [0], [1], [0, 0, 1, 1], [], []>, transpose_lhs_hint = false} : vector<3x2304xbf16>, vector<2304x768xbf16>, vector<3x768xf32> -> vector<3x768xf32>
    %slice3A_441 = vector.extract_strided_slice %dot_general3A_440 {offsets = [2, 0], sizes = [1, 768], strides = [1, 1]} : vector<3x768xf32> to vector<1x768xf32>
    %reduce_max3A_442 = vector.shape_cast %slice3A_441 : vector<1x768xf32> to vector<1x1x768xf32>
    %reduce_max3A_443 = arith.constant dense<0xFF800000> : vector<1xf32>
    %reduce_max3A_444 = vector.multi_reduction <maximumf>, %reduce_max3A_442, %reduce_max3A_443 [1, 2] : vector<1x1x768xf32> to vector<1xf32>
    %reduce_max3A_445 = vector.shape_cast %reduce_max3A_444 : vector<1xf32> to vector<1x1x1xf32>
    %reduce_max3A_446 = vector.extract %reduce_max3A_445[0, 0, 0] : f32 from vector<1x1x1xf32>
    %gt3A_447 = arith.constant 1.500000e+00 : f32
    %gt3A_448 = arith.cmpf ogt, %reduce_max3A_446, %gt3A_447 : f32
    %or3A_449 = arith.ori %or3A_406, %gt3A_448 : i1
    %slice3A_450 = vector.extract_strided_slice %dot_general3A_440 {offsets = [0, 0], sizes = [1, 768], strides = [1, 1]} : vector<3x768xf32> to vector<1x768xf32>
    %mul3A_451 = arith.constant 2.560000e+02 : f32
    %mul3A_452 = vector.broadcast %mul3A_451 : f32 to vector<1x768xf32>
    %mul3A_453 = arith.mulf %slice3A_450, %mul3A_452 : vector<1x768xf32>
    %slice3A_454 = vector.extract_strided_slice %dot_general3A_440 {offsets = [1, 0], sizes = [1, 768], strides = [1, 1]} : vector<3x768xf32> to vector<1x768xf32>
    %add3A_455 = arith.addf %mul3A_453, %slice3A_454 : vector<1x768xf32>
    %slice3A_456 = vector.extract_strided_slice %dot_general3A_440 {offsets = [2, 0], sizes = [1, 768], strides = [1, 1]} : vector<3x768xf32> to vector<1x768xf32>
    %div3A_457 = arith.divf %add3A_455, %slice3A_456 : vector<1x768xf32>
    %add3A_458 = arith.constant 5.000000e-01 : f32
    %add3A_459 = vector.broadcast %add3A_458 : f32 to vector<1x768xf32>
    %add3A_460 = arith.addf %div3A_457, %add3A_459 : vector<1x768xf32>
    %convert_element_type3A_461 = arith.fptosi %add3A_460 : vector<1x768xf32> to vector<1x768xi32>
    %jit3A_462 = arith.constant 0 : i32
    %jit3A_463 = arith.constant 2303 : i32
    %max3A_464 = vector.broadcast %jit3A_462 : i32 to vector<1x768xi32>
    %max3A_465 = arith.maxsi %max3A_464, %convert_element_type3A_461 : vector<1x768xi32>
    %min3A_466 = vector.broadcast %jit3A_463 : i32 to vector<1x768xi32>
    %min3A_467 = arith.minsi %min3A_466, %max3A_465 : vector<1x768xi32>
    %broadcast_in_dim3A_468 = arith.constant 0 : i32
    %broadcast_in_dim3A_469 = vector.broadcast %broadcast_in_dim3A_468 : i32 to vector<7x768xi32>
    %concatenate3A = tpu.concatenate %min3A_123, %min3A_166, %min3A_209, %min3A_252, %min3A_295, %min3A_338, %min3A_381, %min3A_424, %min3A_467, %broadcast_in_dim3A_469 in 0 : vector<1x768xi32>, vector<1x768xi32>, vector<1x768xi32>, vector<1x768xi32>, vector<1x768xi32>, vector<1x768xi32>, vector<1x768xi32>, vector<1x768xi32>, vector<1x768xi32>, vector<7x768xi32> -> vector<16x768xi32>
    %mul3A_470 = arith.constant 2304 : i32
    %mul3A_471 = arith.muli %arg0, %mul3A_470 : i32
    %add3A_472 = vector.broadcast %mul3A_471 : i32 to vector<16x768xi32>
    %add3A_473 = arith.addi %concatenate3A, %add3A_472 : vector<16x768xi32>
    %swap3A_474 = arith.constant 0 : index
    %swap3A_475 = arith.constant 0 : index
    %swap3A_476 = arith.constant 0 : index
    %swap3A_477 = vector.load %arg4[%swap3A_474, %swap3A_475, %swap3A_476] : memref<1x16x768xi32, #tpu.memory_space<vmem>>, vector<1x16x768xi32>
    %swap3A_478 = vector.shape_cast %swap3A_477 : vector<1x16x768xi32> to vector<16x768xi32>
    %swap3A_479 = vector.shape_cast %add3A_473 : vector<16x768xi32> to vector<1x16x768xi32>
    tpu.vector_store %arg4[%swap3A_474, %swap3A_475, %swap3A_476], %swap3A_479 {strides = array<i32>} : memref<1x16x768xi32, #tpu.memory_space<vmem>>, vector<1x16x768xi32>,
    %convert_element_type3A_480 = arith.extui %or3A_449 : i1 to i32
    %cond3A = arith.constant 0 : i32
    %cond3A_481 = arith.cmpi ne, %convert_element_type3A_480, %cond3A : i32
    scf.if %cond3A_481 {
      %iota3A_482 = tpu.iota {dimensions = array<i32: 0>} : vector<2304x768xi32>
      %reduce_max3A_483 = arith.constant dense<0xFF800000> : vector<768xf32>
      %reduce_max3A_484 = vector.multi_reduction <maximumf>, %min3A_32, %reduce_max3A_483 [0] : vector<2304x768xf32> to vector<768xf32>
      %broadcast_in_dim3A_485 = vector.shape_cast %reduce_max3A_484 : vector<768xf32> to vector<1x768xf32>
      %ge3A_486 = vector.broadcast %broadcast_in_dim3A_485 : vector<1x768xf32> to vector<2304x768xf32>
      %ge3A_487 = arith.cmpf oge, %min3A_32, %ge3A_486 : vector<2304x768xf32>
      %jit3A_488 = arith.constant 2304 : i32
      %broadcast_in_dim3A_489 = vector.broadcast %jit3A_488 : i32 to vector<2304x768xi32>
      %select_n3A_490 = arith.select %ge3A_487, %iota3A_482, %broadcast_in_dim3A_489 : vector<2304x768xi1>, vector<2304x768xi32>
      %reduce_min3A = arith.constant dense<2147483647> : vector<768xi32>
      %reduce_min3A_491 = vector.multi_reduction <minsi>, %select_n3A_490, %reduce_min3A [0] : vector<2304x768xi32> to vector<768xi32>
      %broadcast_in_dim3A_492 = vector.shape_cast %reduce_min3A_491 : vector<768xi32> to vector<1x768xi32>
      %mul3A_493 = arith.constant 2304 : i32
      %mul3A_494 = arith.muli %arg0, %mul3A_493 : i32
      %add3A_495 = vector.broadcast %mul3A_494 : i32 to vector<1x768xi32>
      %add3A_496 = arith.addi %broadcast_in_dim3A_492, %add3A_495 : vector<1x768xi32>
      %swap3A_497 = arith.constant 0 : index
      %swap3A_498 = arith.constant 0 : index
      %swap3A_499 = arith.constant 0 : index
      %swap3A_500 = vector.load %arg4[%swap3A_497, %swap3A_498, %swap3A_499] : memref<1x16x768xi32, #tpu.memory_space<vmem>>, vector<1x1x768xi32>
      %swap3A_501 = vector.shape_cast %swap3A_500 : vector<1x1x768xi32> to vector<1x768xi32>
      %swap3A_502 = vector.shape_cast %add3A_496 : vector<1x768xi32> to vector<1x1x768xi32>
      tpu.vector_store %arg4[%swap3A_497, %swap3A_498, %swap3A_499], %swap3A_502 {strides = array<i32>} : memref<1x16x768xi32, #tpu.memory_space<vmem>>, vector<1x1x768xi32>,
      %eq3A_503 = vector.broadcast %broadcast_in_dim3A_492 : vector<1x768xi32> to vector<2304x768xi32>
      %eq3A_504 = arith.cmpi eq, %iota3A_482, %eq3A_503 : vector<2304x768xi32>
      %jit3A_505 = arith.constant -3.000000e+00 : f32
      %broadcast_in_dim3A_506 = vector.broadcast %jit3A_505 : f32 to vector<2304x768xf32>
      %select_n3A_507 = arith.select %eq3A_504, %broadcast_in_dim3A_506, %min3A_32 : vector<2304x768xi1>, vector<2304x768xf32>
      %reduce_max3A_508 = arith.constant dense<0xFF800000> : vector<768xf32>
      %reduce_max3A_509 = vector.multi_reduction <maximumf>, %select_n3A_507, %reduce_max3A_508 [0] : vector<2304x768xf32> to vector<768xf32>
      %broadcast_in_dim3A_510 = vector.shape_cast %reduce_max3A_509 : vector<768xf32> to vector<1x768xf32>
      %ge3A_511 = vector.broadcast %broadcast_in_dim3A_510 : vector<1x768xf32> to vector<2304x768xf32>
      %ge3A_512 = arith.cmpf oge, %select_n3A_507, %ge3A_511 : vector<2304x768xf32>
      %jit3A_513 = arith.constant 2304 : i32
      %broadcast_in_dim3A_514 = vector.broadcast %jit3A_513 : i32 to vector<2304x768xi32>
      %select_n3A_515 = arith.select %ge3A_512, %iota3A_482, %broadcast_in_dim3A_514 : vector<2304x768xi1>, vector<2304x768xi32>
      %reduce_min3A_516 = arith.constant dense<2147483647> : vector<768xi32>
      %reduce_min3A_517 = vector.multi_reduction <minsi>, %select_n3A_515, %reduce_min3A_516 [0] : vector<2304x768xi32> to vector<768xi32>
      %broadcast_in_dim3A_518 = vector.shape_cast %reduce_min3A_517 : vector<768xi32> to vector<1x768xi32>
      %mul3A_519 = arith.constant 2304 : i32
      %mul3A_520 = arith.muli %arg0, %mul3A_519 : i32
      %add3A_521 = vector.broadcast %mul3A_520 : i32 to vector<1x768xi32>
      %add3A_522 = arith.addi %broadcast_in_dim3A_518, %add3A_521 : vector<1x768xi32>
      %swap3A_523 = arith.constant 0 : index
      %swap3A_524 = arith.constant 1 : index
      %swap3A_525 = arith.constant 0 : index
      %swap3A_526 = vector.load %arg4[%swap3A_523, %swap3A_524, %swap3A_525] : memref<1x16x768xi32, #tpu.memory_space<vmem>>, vector<1x1x768xi32>
      %swap3A_527 = vector.shape_cast %swap3A_526 : vector<1x1x768xi32> to vector<1x768xi32>
      %swap3A_528 = vector.shape_cast %add3A_522 : vector<1x768xi32> to vector<1x1x768xi32>
      tpu.vector_store %arg4[%swap3A_523, %swap3A_524, %swap3A_525], %swap3A_528 {strides = array<i32>} : memref<1x16x768xi32, #tpu.memory_space<vmem>>, vector<1x1x768xi32>,
      %eq3A_529 = vector.broadcast %broadcast_in_dim3A_518 : vector<1x768xi32> to vector<2304x768xi32>
      %eq3A_530 = arith.cmpi eq, %iota3A_482, %eq3A_529 : vector<2304x768xi32>
      %jit3A_531 = arith.constant -3.000000e+00 : f32
      %broadcast_in_dim3A_532 = vector.broadcast %jit3A_531 : f32 to vector<2304x768xf32>
      %select_n3A_533 = arith.select %eq3A_530, %broadcast_in_dim3A_532, %select_n3A_507 : vector<2304x768xi1>, vector<2304x768xf32>
      %reduce_max3A_534 = arith.constant dense<0xFF800000> : vector<768xf32>
      %reduce_max3A_535 = vector.multi_reduction <maximumf>, %select_n3A_533, %reduce_max3A_534 [0] : vector<2304x768xf32> to vector<768xf32>
      %broadcast_in_dim3A_536 = vector.shape_cast %reduce_max3A_535 : vector<768xf32> to vector<1x768xf32>
      %ge3A_537 = vector.broadcast %broadcast_in_dim3A_536 : vector<1x768xf32> to vector<2304x768xf32>
      %ge3A_538 = arith.cmpf oge, %select_n3A_533, %ge3A_537 : vector<2304x768xf32>
      %jit3A_539 = arith.constant 2304 : i32
      %broadcast_in_dim3A_540 = vector.broadcast %jit3A_539 : i32 to vector<2304x768xi32>
      %select_n3A_541 = arith.select %ge3A_538, %iota3A_482, %broadcast_in_dim3A_540 : vector<2304x768xi1>, vector<2304x768xi32>
      %reduce_min3A_542 = arith.constant dense<2147483647> : vector<768xi32>
      %reduce_min3A_543 = vector.multi_reduction <minsi>, %select_n3A_541, %reduce_min3A_542 [0] : vector<2304x768xi32> to vector<768xi32>
      %broadcast_in_dim3A_544 = vector.shape_cast %reduce_min3A_543 : vector<768xi32> to vector<1x768xi32>
      %mul3A_545 = arith.constant 2304 : i32
      %mul3A_546 = arith.muli %arg0, %mul3A_545 : i32
      %add3A_547 = vector.broadcast %mul3A_546 : i32 to vector<1x768xi32>
      %add3A_548 = arith.addi %broadcast_in_dim3A_544, %add3A_547 : vector<1x768xi32>
      %swap3A_549 = arith.constant 0 : index
      %swap3A_550 = arith.constant 2 : index
      %swap3A_551 = arith.constant 0 : index
      %swap3A_552 = vector.load %arg4[%swap3A_549, %swap3A_550, %swap3A_551] : memref<1x16x768xi32, #tpu.memory_space<vmem>>, vector<1x1x768xi32>
      %swap3A_553 = vector.shape_cast %swap3A_552 : vector<1x1x768xi32> to vector<1x768xi32>
      %swap3A_554 = vector.shape_cast %add3A_548 : vector<1x768xi32> to vector<1x1x768xi32>
      tpu.vector_store %arg4[%swap3A_549, %swap3A_550, %swap3A_551], %swap3A_554 {strides = array<i32>} : memref<1x16x768xi32, #tpu.memory_space<vmem>>, vector<1x1x768xi32>,
      %eq3A_555 = vector.broadcast %broadcast_in_dim3A_544 : vector<1x768xi32> to vector<2304x768xi32>
      %eq3A_556 = arith.cmpi eq, %iota3A_482, %eq3A_555 : vector<2304x768xi32>
      %jit3A_557 = arith.constant -3.000000e+00 : f32
      %broadcast_in_dim3A_558 = vector.broadcast %jit3A_557 : f32 to vector<2304x768xf32>
      %select_n3A_559 = arith.select %eq3A_556, %broadcast_in_dim3A_558, %select_n3A_533 : vector<2304x768xi1>, vector<2304x768xf32>
      %reduce_max3A_560 = arith.constant dense<0xFF800000> : vector<768xf32>
      %reduce_max3A_561 = vector.multi_reduction <maximumf>, %select_n3A_559, %reduce_max3A_560 [0] : vector<2304x768xf32> to vector<768xf32>
      %broadcast_in_dim3A_562 = vector.shape_cast %reduce_max3A_561 : vector<768xf32> to vector<1x768xf32>
      %ge3A_563 = vector.broadcast %broadcast_in_dim3A_562 : vector<1x768xf32> to vector<2304x768xf32>
      %ge3A_564 = arith.cmpf oge, %select_n3A_559, %ge3A_563 : vector<2304x768xf32>
      %jit3A_565 = arith.constant 2304 : i32
      %broadcast_in_dim3A_566 = vector.broadcast %jit3A_565 : i32 to vector<2304x768xi32>
      %select_n3A_567 = arith.select %ge3A_564, %iota3A_482, %broadcast_in_dim3A_566 : vector<2304x768xi1>, vector<2304x768xi32>
      %reduce_min3A_568 = arith.constant dense<2147483647> : vector<768xi32>
      %reduce_min3A_569 = vector.multi_reduction <minsi>, %select_n3A_567, %reduce_min3A_568 [0] : vector<2304x768xi32> to vector<768xi32>
      %broadcast_in_dim3A_570 = vector.shape_cast %reduce_min3A_569 : vector<768xi32> to vector<1x768xi32>
      %mul3A_571 = arith.constant 2304 : i32
      %mul3A_572 = arith.muli %arg0, %mul3A_571 : i32
      %add3A_573 = vector.broadcast %mul3A_572 : i32 to vector<1x768xi32>
      %add3A_574 = arith.addi %broadcast_in_dim3A_570, %add3A_573 : vector<1x768xi32>
      %swap3A_575 = arith.constant 0 : index
      %swap3A_576 = arith.constant 3 : index
      %swap3A_577 = arith.constant 0 : index
      %swap3A_578 = vector.load %arg4[%swap3A_575, %swap3A_576, %swap3A_577] : memref<1x16x768xi32, #tpu.memory_space<vmem>>, vector<1x1x768xi32>
      %swap3A_579 = vector.shape_cast %swap3A_578 : vector<1x1x768xi32> to vector<1x768xi32>
      %swap3A_580 = vector.shape_cast %add3A_574 : vector<1x768xi32> to vector<1x1x768xi32>
      tpu.vector_store %arg4[%swap3A_575, %swap3A_576, %swap3A_577], %swap3A_580 {strides = array<i32>} : memref<1x16x768xi32, #tpu.memory_space<vmem>>, vector<1x1x768xi32>,
      %eq3A_581 = vector.broadcast %broadcast_in_dim3A_570 : vector<1x768xi32> to vector<2304x768xi32>
      %eq3A_582 = arith.cmpi eq, %iota3A_482, %eq3A_581 : vector<2304x768xi32>
      %jit3A_583 = arith.constant -3.000000e+00 : f32
      %broadcast_in_dim3A_584 = vector.broadcast %jit3A_583 : f32 to vector<2304x768xf32>
      %select_n3A_585 = arith.select %eq3A_582, %broadcast_in_dim3A_584, %select_n3A_559 : vector<2304x768xi1>, vector<2304x768xf32>
      %reduce_max3A_586 = arith.constant dense<0xFF800000> : vector<768xf32>
      %reduce_max3A_587 = vector.multi_reduction <maximumf>, %select_n3A_585, %reduce_max3A_586 [0] : vector<2304x768xf32> to vector<768xf32>
      %broadcast_in_dim3A_588 = vector.shape_cast %reduce_max3A_587 : vector<768xf32> to vector<1x768xf32>
      %ge3A_589 = vector.broadcast %broadcast_in_dim3A_588 : vector<1x768xf32> to vector<2304x768xf32>
      %ge3A_590 = arith.cmpf oge, %select_n3A_585, %ge3A_589 : vector<2304x768xf32>
      %jit3A_591 = arith.constant 2304 : i32
      %broadcast_in_dim3A_592 = vector.broadcast %jit3A_591 : i32 to vector<2304x768xi32>
      %select_n3A_593 = arith.select %ge3A_590, %iota3A_482, %broadcast_in_dim3A_592 : vector<2304x768xi1>, vector<2304x768xi32>
      %reduce_min3A_594 = arith.constant dense<2147483647> : vector<768xi32>
      %reduce_min3A_595 = vector.multi_reduction <minsi>, %select_n3A_593, %reduce_min3A_594 [0] : vector<2304x768xi32> to vector<768xi32>
      %broadcast_in_dim3A_596 = vector.shape_cast %reduce_min3A_595 : vector<768xi32> to vector<1x768xi32>
      %mul3A_597 = arith.constant 2304 : i32
      %mul3A_598 = arith.muli %arg0, %mul3A_597 : i32
      %add3A_599 = vector.broadcast %mul3A_598 : i32 to vector<1x768xi32>
      %add3A_600 = arith.addi %broadcast_in_dim3A_596, %add3A_599 : vector<1x768xi32>
      %swap3A_601 = arith.constant 0 : index
      %swap3A_602 = arith.constant 4 : index
      %swap3A_603 = arith.constant 0 : index
      %swap3A_604 = vector.load %arg4[%swap3A_601, %swap3A_602, %swap3A_603] : memref<1x16x768xi32, #tpu.memory_space<vmem>>, vector<1x1x768xi32>
      %swap3A_605 = vector.shape_cast %swap3A_604 : vector<1x1x768xi32> to vector<1x768xi32>
      %swap3A_606 = vector.shape_cast %add3A_600 : vector<1x768xi32> to vector<1x1x768xi32>
      tpu.vector_store %arg4[%swap3A_601, %swap3A_602, %swap3A_603], %swap3A_606 {strides = array<i32>} : memref<1x16x768xi32, #tpu.memory_space<vmem>>, vector<1x1x768xi32>,
      %eq3A_607 = vector.broadcast %broadcast_in_dim3A_596 : vector<1x768xi32> to vector<2304x768xi32>
      %eq3A_608 = arith.cmpi eq, %iota3A_482, %eq3A_607 : vector<2304x768xi32>
      %jit3A_609 = arith.constant -3.000000e+00 : f32
      %broadcast_in_dim3A_610 = vector.broadcast %jit3A_609 : f32 to vector<2304x768xf32>
      %select_n3A_611 = arith.select %eq3A_608, %broadcast_in_dim3A_610, %select_n3A_585 : vector<2304x768xi1>, vector<2304x768xf32>
      %reduce_max3A_612 = arith.constant dense<0xFF800000> : vector<768xf32>
      %reduce_max3A_613 = vector.multi_reduction <maximumf>, %select_n3A_611, %reduce_max3A_612 [0] : vector<2304x768xf32> to vector<768xf32>
      %broadcast_in_dim3A_614 = vector.shape_cast %reduce_max3A_613 : vector<768xf32> to vector<1x768xf32>
      %ge3A_615 = vector.broadcast %broadcast_in_dim3A_614 : vector<1x768xf32> to vector<2304x768xf32>
      %ge3A_616 = arith.cmpf oge, %select_n3A_611, %ge3A_615 : vector<2304x768xf32>
      %jit3A_617 = arith.constant 2304 : i32
      %broadcast_in_dim3A_618 = vector.broadcast %jit3A_617 : i32 to vector<2304x768xi32>
      %select_n3A_619 = arith.select %ge3A_616, %iota3A_482, %broadcast_in_dim3A_618 : vector<2304x768xi1>, vector<2304x768xi32>
      %reduce_min3A_620 = arith.constant dense<2147483647> : vector<768xi32>
      %reduce_min3A_621 = vector.multi_reduction <minsi>, %select_n3A_619, %reduce_min3A_620 [0] : vector<2304x768xi32> to vector<768xi32>
      %broadcast_in_dim3A_622 = vector.shape_cast %reduce_min3A_621 : vector<768xi32> to vector<1x768xi32>
      %mul3A_623 = arith.constant 2304 : i32
      %mul3A_624 = arith.muli %arg0, %mul3A_623 : i32
      %add3A_625 = vector.broadcast %mul3A_624 : i32 to vector<1x768xi32>
      %add3A_626 = arith.addi %broadcast_in_dim3A_622, %add3A_625 : vector<1x768xi32>
      %swap3A_627 = arith.constant 0 : index
      %swap3A_628 = arith.constant 5 : index
      %swap3A_629 = arith.constant 0 : index
      %swap3A_630 = vector.load %arg4[%swap3A_627, %swap3A_628, %swap3A_629] : memref<1x16x768xi32, #tpu.memory_space<vmem>>, vector<1x1x768xi32>
      %swap3A_631 = vector.shape_cast %swap3A_630 : vector<1x1x768xi32> to vector<1x768xi32>
      %swap3A_632 = vector.shape_cast %add3A_626 : vector<1x768xi32> to vector<1x1x768xi32>
      tpu.vector_store %arg4[%swap3A_627, %swap3A_628, %swap3A_629], %swap3A_632 {strides = array<i32>} : memref<1x16x768xi32, #tpu.memory_space<vmem>>, vector<1x1x768xi32>,
      %eq3A_633 = vector.broadcast %broadcast_in_dim3A_622 : vector<1x768xi32> to vector<2304x768xi32>
      %eq3A_634 = arith.cmpi eq, %iota3A_482, %eq3A_633 : vector<2304x768xi32>
      %jit3A_635 = arith.constant -3.000000e+00 : f32
      %broadcast_in_dim3A_636 = vector.broadcast %jit3A_635 : f32 to vector<2304x768xf32>
      %select_n3A_637 = arith.select %eq3A_634, %broadcast_in_dim3A_636, %select_n3A_611 : vector<2304x768xi1>, vector<2304x768xf32>
      %reduce_max3A_638 = arith.constant dense<0xFF800000> : vector<768xf32>
      %reduce_max3A_639 = vector.multi_reduction <maximumf>, %select_n3A_637, %reduce_max3A_638 [0] : vector<2304x768xf32> to vector<768xf32>
      %broadcast_in_dim3A_640 = vector.shape_cast %reduce_max3A_639 : vector<768xf32> to vector<1x768xf32>
      %ge3A_641 = vector.broadcast %broadcast_in_dim3A_640 : vector<1x768xf32> to vector<2304x768xf32>
      %ge3A_642 = arith.cmpf oge, %select_n3A_637, %ge3A_641 : vector<2304x768xf32>
      %jit3A_643 = arith.constant 2304 : i32
      %broadcast_in_dim3A_644 = vector.broadcast %jit3A_643 : i32 to vector<2304x768xi32>
      %select_n3A_645 = arith.select %ge3A_642, %iota3A_482, %broadcast_in_dim3A_644 : vector<2304x768xi1>, vector<2304x768xi32>
      %reduce_min3A_646 = arith.constant dense<2147483647> : vector<768xi32>
      %reduce_min3A_647 = vector.multi_reduction <minsi>, %select_n3A_645, %reduce_min3A_646 [0] : vector<2304x768xi32> to vector<768xi32>
      %broadcast_in_dim3A_648 = vector.shape_cast %reduce_min3A_647 : vector<768xi32> to vector<1x768xi32>
      %mul3A_649 = arith.constant 2304 : i32
      %mul3A_650 = arith.muli %arg0, %mul3A_649 : i32
      %add3A_651 = vector.broadcast %mul3A_650 : i32 to vector<1x768xi32>
      %add3A_652 = arith.addi %broadcast_in_dim3A_648, %add3A_651 : vector<1x768xi32>
      %swap3A_653 = arith.constant 0 : index
      %swap3A_654 = arith.constant 6 : index
      %swap3A_655 = arith.constant 0 : index
      %swap3A_656 = vector.load %arg4[%swap3A_653, %swap3A_654, %swap3A_655] : memref<1x16x768xi32, #tpu.memory_space<vmem>>, vector<1x1x768xi32>
      %swap3A_657 = vector.shape_cast %swap3A_656 : vector<1x1x768xi32> to vector<1x768xi32>
      %swap3A_658 = vector.shape_cast %add3A_652 : vector<1x768xi32> to vector<1x1x768xi32>
      tpu.vector_store %arg4[%swap3A_653, %swap3A_654, %swap3A_655], %swap3A_658 {strides = array<i32>} : memref<1x16x768xi32, #tpu.memory_space<vmem>>, vector<1x1x768xi32>,
      %eq3A_659 = vector.broadcast %broadcast_in_dim3A_648 : vector<1x768xi32> to vector<2304x768xi32>
      %eq3A_660 = arith.cmpi eq, %iota3A_482, %eq3A_659 : vector<2304x768xi32>
      %jit3A_661 = arith.constant -3.000000e+00 : f32
      %broadcast_in_dim3A_662 = vector.broadcast %jit3A_661 : f32 to vector<2304x768xf32>
      %select_n3A_663 = arith.select %eq3A_660, %broadcast_in_dim3A_662, %select_n3A_637 : vector<2304x768xi1>, vector<2304x768xf32>
      %reduce_max3A_664 = arith.constant dense<0xFF800000> : vector<768xf32>
      %reduce_max3A_665 = vector.multi_reduction <maximumf>, %select_n3A_663, %reduce_max3A_664 [0] : vector<2304x768xf32> to vector<768xf32>
      %broadcast_in_dim3A_666 = vector.shape_cast %reduce_max3A_665 : vector<768xf32> to vector<1x768xf32>
      %ge3A_667 = vector.broadcast %broadcast_in_dim3A_666 : vector<1x768xf32> to vector<2304x768xf32>
      %ge3A_668 = arith.cmpf oge, %select_n3A_663, %ge3A_667 : vector<2304x768xf32>
      %jit3A_669 = arith.constant 2304 : i32
      %broadcast_in_dim3A_670 = vector.broadcast %jit3A_669 : i32 to vector<2304x768xi32>
      %select_n3A_671 = arith.select %ge3A_668, %iota3A_482, %broadcast_in_dim3A_670 : vector<2304x768xi1>, vector<2304x768xi32>
      %reduce_min3A_672 = arith.constant dense<2147483647> : vector<768xi32>
      %reduce_min3A_673 = vector.multi_reduction <minsi>, %select_n3A_671, %reduce_min3A_672 [0] : vector<2304x768xi32> to vector<768xi32>
      %broadcast_in_dim3A_674 = vector.shape_cast %reduce_min3A_673 : vector<768xi32> to vector<1x768xi32>
      %mul3A_675 = arith.constant 2304 : i32
      %mul3A_676 = arith.muli %arg0, %mul3A_675 : i32
      %add3A_677 = vector.broadcast %mul3A_676 : i32 to vector<1x768xi32>
      %add3A_678 = arith.addi %broadcast_in_dim3A_674, %add3A_677 : vector<1x768xi32>
      %swap3A_679 = arith.constant 0 : index
      %swap3A_680 = arith.constant 7 : index
      %swap3A_681 = arith.constant 0 : index
      %swap3A_682 = vector.load %arg4[%swap3A_679, %swap3A_680, %swap3A_681] : memref<1x16x768xi32, #tpu.memory_space<vmem>>, vector<1x1x768xi32>
      %swap3A_683 = vector.shape_cast %swap3A_682 : vector<1x1x768xi32> to vector<1x768xi32>
      %swap3A_684 = vector.shape_cast %add3A_678 : vector<1x768xi32> to vector<1x1x768xi32>
      tpu.vector_store %arg4[%swap3A_679, %swap3A_680, %swap3A_681], %swap3A_684 {strides = array<i32>} : memref<1x16x768xi32, #tpu.memory_space<vmem>>, vector<1x1x768xi32>,
      %eq3A_685 = vector.broadcast %broadcast_in_dim3A_674 : vector<1x768xi32> to vector<2304x768xi32>
      %eq3A_686 = arith.cmpi eq, %iota3A_482, %eq3A_685 : vector<2304x768xi32>
      %jit3A_687 = arith.constant -3.000000e+00 : f32
      %broadcast_in_dim3A_688 = vector.broadcast %jit3A_687 : f32 to vector<2304x768xf32>
      %select_n3A_689 = arith.select %eq3A_686, %broadcast_in_dim3A_688, %select_n3A_663 : vector<2304x768xi1>, vector<2304x768xf32>
      %reduce_max3A_690 = arith.constant dense<0xFF800000> : vector<768xf32>
      %reduce_max3A_691 = vector.multi_reduction <maximumf>, %select_n3A_689, %reduce_max3A_690 [0] : vector<2304x768xf32> to vector<768xf32>
      %broadcast_in_dim3A_692 = vector.shape_cast %reduce_max3A_691 : vector<768xf32> to vector<1x768xf32>
      %ge3A_693 = vector.broadcast %broadcast_in_dim3A_692 : vector<1x768xf32> to vector<2304x768xf32>
      %ge3A_694 = arith.cmpf oge, %select_n3A_689, %ge3A_693 : vector<2304x768xf32>
      %jit3A_695 = arith.constant 2304 : i32
      %broadcast_in_dim3A_696 = vector.broadcast %jit3A_695 : i32 to vector<2304x768xi32>
      %select_n3A_697 = arith.select %ge3A_694, %iota3A_482, %broadcast_in_dim3A_696 : vector<2304x768xi1>, vector<2304x768xi32>
      %reduce_min3A_698 = arith.constant dense<2147483647> : vector<768xi32>
      %reduce_min3A_699 = vector.multi_reduction <minsi>, %select_n3A_697, %reduce_min3A_698 [0] : vector<2304x768xi32> to vector<768xi32>
      %broadcast_in_dim3A_700 = vector.shape_cast %reduce_min3A_699 : vector<768xi32> to vector<1x768xi32>
      %mul3A_701 = arith.constant 2304 : i32
      %mul3A_702 = arith.muli %arg0, %mul3A_701 : i32
      %add3A_703 = vector.broadcast %mul3A_702 : i32 to vector<1x768xi32>
      %add3A_704 = arith.addi %broadcast_in_dim3A_700, %add3A_703 : vector<1x768xi32>
      %swap3A_705 = arith.constant 0 : index
      %swap3A_706 = arith.constant 8 : index
      %swap3A_707 = arith.constant 0 : index
      %swap3A_708 = vector.load %arg4[%swap3A_705, %swap3A_706, %swap3A_707] : memref<1x16x768xi32, #tpu.memory_space<vmem>>, vector<1x1x768xi32>
      %swap3A_709 = vector.shape_cast %swap3A_708 : vector<1x1x768xi32> to vector<1x768xi32>
      %swap3A_710 = vector.shape_cast %add3A_704 : vector<1x768xi32> to vector<1x1x768xi32>
      tpu.vector_store %arg4[%swap3A_705, %swap3A_706, %swap3A_707], %swap3A_710 {strides = array<i32>} : memref<1x16x768xi32, #tpu.memory_space<vmem>>, vector<1x1x768xi32>,
    } else {
    }
    return
  }
  func.func @transform_0(%arg0: i32, %arg1: i32) -> (i32, i32, i32) {
    %c0_i32 = arith.constant 0 : i32
    %c0_i32_0 = arith.constant 0 : i32
    %c0_i32_1 = arith.constant 0 : i32
    return %arg0, %c0_i32, %c0_i32_0 : i32, i32, i32
  }
  func.func @transform_1(%arg0: i32, %arg1: i32) -> (i32, i32, i32) {
    %c0_i32 = arith.constant 0 : i32
    %c0_i32_0 = arith.constant 0 : i32
    return %arg0, %c0_i32, %arg1 : i32, i32, i32
  }
  func.func @transform_2(%arg0: i32, %arg1: i32) -> (i32, i32, i32) {
    %c0_i32 = arith.constant 0 : i32
    %c0_i32_0 = arith.constant 0 : i32
    return %arg0, %c0_i32, %arg1 : i32, i32, i32
  }
  func.func @transform_3(%arg0: i32, %arg1: i32) -> (i32, i32, i32) {
    %c0_i32 = arith.constant 0 : i32
    %c0_i32_0 = arith.constant 0 : i32
    return %arg0, %arg1, %c0_i32 : i32, i32, i32
  }
}

module attributes {stable_mosaic.version = 14 : i64} {
  func.func @_conv_body(%arg0: i32, %arg1: i32, %arg2: memref<1x2304x32xf32, #tpu.memory_space<vmem>>, %arg3: memref<1x32x32xf32, #tpu.memory_space<vmem>>, %arg4: memref<32x1xf32, #tpu.memory_space<vmem>>, %arg5: memref<1x32x2304xf32, #tpu.memory_space<vmem>>) attributes {dimension_semantics = [#tpu.dimension_semantics<arbitrary>, #tpu.dimension_semantics<arbitrary>], iteration_bounds = array<i64: 4, 9>, scalar_prefetch = 0 : i64, scratch_operands = 0 : i64, tpu.core_type = #tpu.core_type<tc>, window_params = [{transform_indices = @transform_0, window_bounds = array<i64: 1, 2304, 32>}, {transform_indices = @transform_1, window_bounds = array<i64: 1, 32, 32>}, {pipeline_mode = #tpu.pipeline_mode<synchronous>, transform_indices = @transform_2, window_bounds = array<i64: 32, 1>}, {transform_indices = @transform_3, window_bounds = array<i64: 1, 32, 2304>}]} {
    %get3A = arith.constant 0 : index
    %get3A_0 = arith.constant 0 : index
    %get3A_1 = arith.constant 0 : index
    %get3A_2 = vector.load %arg3[%get3A, %get3A_0, %get3A_1] : memref<1x32x32xf32, #tpu.memory_space<vmem>>, vector<1x32x32xf32>
    %get3A_3 = vector.shape_cast %get3A_2 : vector<1x32x32xf32> to vector<32x32xf32>
    %get3A_4 = arith.constant 0 : index
    %get3A_5 = arith.constant 0 : index
    %get3A_6 = arith.constant 0 : index
    %get3A_7 = vector.load %arg2[%get3A_4, %get3A_5, %get3A_6] : memref<1x2304x32xf32, #tpu.memory_space<vmem>>, vector<1x2304x32xf32>
    %get3A_8 = vector.shape_cast %get3A_7 : vector<1x2304x32xf32> to vector<2304x32xf32>
    %dot_general3A = arith.constant dense<0.000000e+00> : vector<32x2304xf32>
    %dot_general3A_9 = tpu.matmul %get3A_3, %get3A_8, %dot_general3A {dimension_numbers = #tpu.dot_dimension_numbers<[1], [1], [0], [0], [0, 0, 1, 0], [], []>, transpose_lhs_hint = false} : vector<32x32xf32>, vector<2304x32xf32>, vector<32x2304xf32> -> vector<32x2304xf32>
    %eq3A = arith.constant 0 : i32
    %eq3A_10 = arith.cmpi eq, %arg1, %eq3A : i32
    %convert_element_type3A = arith.extui %eq3A_10 : i1 to i32
    %cond3A = arith.constant 0 : i32
    %cond3A_11 = arith.cmpi ne, %convert_element_type3A, %cond3A : i32
    scf.if %cond3A_11 {
      %get3A_16 = arith.constant 0 : index
      %get3A_17 = arith.constant 0 : index
      %get3A_18 = vector.load %arg4[%get3A_16, %get3A_17] : memref<32x1xf32, #tpu.memory_space<vmem>>, vector<32x1xf32>
      %add3A = vector.broadcast %get3A_18 : vector<32x1xf32> to vector<32x2304xf32>
      %add3A_19 = arith.addf %dot_general3A_9, %add3A : vector<32x2304xf32>
      %swap3A = arith.constant 0 : index
      %swap3A_20 = arith.constant 0 : index
      %swap3A_21 = arith.constant 0 : index
      %swap3A_22 = vector.load %arg5[%swap3A, %swap3A_20, %swap3A_21] : memref<1x32x2304xf32, #tpu.memory_space<vmem>>, vector<1x32x2304xf32>
      %swap3A_23 = vector.shape_cast %swap3A_22 : vector<1x32x2304xf32> to vector<32x2304xf32>
      %swap3A_24 = vector.shape_cast %add3A_19 : vector<32x2304xf32> to vector<1x32x2304xf32>
      tpu.vector_store %arg5[%swap3A, %swap3A_20, %swap3A_21], %swap3A_24 {strides = array<i32>} : memref<1x32x2304xf32, #tpu.memory_space<vmem>>, vector<1x32x2304xf32>,
    } else {
    }
    %ne3A = arith.constant 0 : i32
    %ne3A_12 = arith.cmpi ne, %arg1, %ne3A : i32
    %convert_element_type3A_13 = arith.extui %ne3A_12 : i1 to i32
    %cond3A_14 = arith.constant 0 : i32
    %cond3A_15 = arith.cmpi ne, %convert_element_type3A_13, %cond3A_14 : i32
    scf.if %cond3A_15 {
      %get3A_16 = arith.constant 0 : index
      %get3A_17 = arith.constant 0 : index
      %get3A_18 = arith.constant 0 : index
      %get3A_19 = vector.load %arg5[%get3A_16, %get3A_17, %get3A_18] : memref<1x32x2304xf32, #tpu.memory_space<vmem>>, vector<1x32x2304xf32>
      %get3A_20 = vector.shape_cast %get3A_19 : vector<1x32x2304xf32> to vector<32x2304xf32>
      %add3A = arith.addf %get3A_20, %dot_general3A_9 : vector<32x2304xf32>
      %swap3A = arith.constant 0 : index
      %swap3A_21 = arith.constant 0 : index
      %swap3A_22 = arith.constant 0 : index
      %swap3A_23 = vector.load %arg5[%swap3A, %swap3A_21, %swap3A_22] : memref<1x32x2304xf32, #tpu.memory_space<vmem>>, vector<1x32x2304xf32>
      %swap3A_24 = vector.shape_cast %swap3A_23 : vector<1x32x2304xf32> to vector<32x2304xf32>
      %swap3A_25 = vector.shape_cast %add3A : vector<32x2304xf32> to vector<1x32x2304xf32>
      tpu.vector_store %arg5[%swap3A, %swap3A_21, %swap3A_22], %swap3A_25 {strides = array<i32>} : memref<1x32x2304xf32, #tpu.memory_space<vmem>>, vector<1x32x2304xf32>,
    } else {
    }
    return
  }
  func.func @transform_0(%arg0: i32, %arg1: i32) -> (i32, i32, i32) {
    %mul3A = arith.constant 9 : i32
    %mul3A_0 = arith.muli %arg0, %mul3A : i32
    %add3A = arith.addi %mul3A_0, %arg1 : i32
    %c0_i32 = arith.constant 0 : i32
    %c0_i32_1 = arith.constant 0 : i32
    %c0_i32_2 = arith.constant 0 : i32
    return %add3A, %c0_i32, %c0_i32_1 : i32, i32, i32
  }
  func.func @transform_1(%arg0: i32, %arg1: i32) -> (i32, i32, i32) {
    %c0_i32 = arith.constant 0 : i32
    %c0_i32_0 = arith.constant 0 : i32
    %c0_i32_1 = arith.constant 0 : i32
    return %arg1, %c0_i32, %c0_i32_0 : i32, i32, i32
  }
  func.func @transform_2(%arg0: i32, %arg1: i32) -> (i32, i32) {
    %c0_i32 = arith.constant 0 : i32
    %c0_i32_0 = arith.constant 0 : i32
    %c0_i32_1 = arith.constant 0 : i32
    return %c0_i32, %c0_i32_0 : i32, i32
  }
  func.func @transform_3(%arg0: i32, %arg1: i32) -> (i32, i32, i32) {
    %c0_i32 = arith.constant 0 : i32
    %c0_i32_0 = arith.constant 0 : i32
    %c0_i32_1 = arith.constant 0 : i32
    return %arg0, %c0_i32, %c0_i32_0 : i32, i32, i32
  }
}

</mosaic_0001>

<sc_bundles>
// kernel: kernel.11.cloned.1.call-start
scs
__scs_entry_jumppad:
0x0: {  	(pc) =	sbr.rel $0x88, $3  }
0x1: {  	(tag) =	ssettag $0x0;
	lr =	simm.s32 $0x1  }
0x2: {  	[smem:$0x3F9E] =	sst lr;
	_ =	strace $0xD0000000  }
0x3: {  	_ = 	snop  }
0x4: {  	_ = 	snop  }
0x5: {  	_ = 	snop  }
0x6: {  	_ = 	snop  }
0x7: {  	_ = 	snop  }
__scs_overlays_trampoline_lowered:
0x8: {  	[smem:$0x3FAD] =	sst s0  }
0x9: {  	[smem:$0x3FAE] =	sst s1  }
0xa: {  	[smem:$0x3FAF] =	sst s2  }
0xb: {  	[smem:$0x3FB0] =	sst s3  }
0xc: {  	[smem:$0x3FB1] =	sst s4  }
0xd: {  	[smem:$0x3FB2] =	sst s5  }
0xe: {  	[smem:$0x3FB3] =	sst s6  }
0xf: {  	[smem:$0x3FB4] =	sst s7  }
0x10: {  	[smem:$0x3FB5] =	sst s8  }
0x11: {  	[smem:$0x3FB6] =	sst s9;
	s0 =	simm.s32 @!p0 $0x0  }
0x12: {  	s1 =	sld [smem:$0x3F9C];
	s0 =	simm.s32 @p0 $0x1  }
0x13: {  	[smem:$0x3FB7] =	sst s0;
	s0 =	simm.s32 @!p1 $0x0  }
0x14: {  	s2 =	sld [smem:$0x3F9B];
	s0 =	simm.s32 @p1 $0x1  }
0x15: {  	[smem:$0x3FB8] =	sst s0;
	s0 =	simm.s32 @!p2 $0x0  }
0x16: {  	s3 =	sld [smem:$0x3FDB];
	s0 =	simm.s32 @p2 $0x1  }
0x17: {  	s4 =	simm.s32 $0x1BF5;
	[smem:$0x3FBA] =	sst s0  }
0x18: {  	s0 =	sld [smem:$0x3F9D];
	_ =	swait.ge [sflag:s4], $0x0  }
0x19: {  	s7 =	sld [smem:$0x3F9E]  }
0x1a: {  	s8 =	sadd.s32 $0xFFFFE003, lr  }
0x1b: {  	s9 =	sadd.s32 $0xFFFFFEF7, lr;
	s5 =	simm.s32 $0xFFFFFFFF;
	p2 =	slt.u32 s8, $0xFFFFF086  }
0x1c: {  	p1 =	slt.u32 s9, $0xF7A;
	s5 =	simm.s32 @!p2 $0x0  }
0x1d: {  	s5 =	simm.s32 @p1 $0x1;
	p0 =	seq.s32 s7, s2  }
0x1e: {  	s7 =	smul.u32 @!p0 $0xF7A, s2;
	p2 =	seq.s32 @!p0 s5, $0x0  }
0x1f: {  	s9 =	smul.u32 $0xF7A, s1;
	s8 =	simm.s32 @!p0 $0x1BF5;
	p2 =	por !p2, p0  }
0x20: {  	[sflag:s8] =	ssyncset.s32 @!p0 $0xFFFFF086;
	s6 =	sadd.s32 @!p0 s3, s7;
	s7 =	simm.s32 @!p0 $0x108  }
0x21: {  	s3 =	sadd.s32 s3, s9;
	s6 =	sadd.s32 @!p0 $0x88, s6;
	s7 =	simm.s32 @p2 $0x1082  }
0x22: {  	[simem:s7], [sflag:s8] =	dma.local @!p0 [hbm:s6], $0xF7A  }
0x23: {  	s9 =	sor.u32 $0xD0000000, s2;
	s6 =	simm.s32 $0x108;
	_ =	swait.ge @!p0 [sflag:s8], $0x0  }
0x24: {  	s3 =	sadd.s32 $0x88, s3;
	s6 =	simm.s32 @!p1 $0x1082;
	[sflag:s4] =	ssyncset.s32 $0xFFFFF086  }
0x25: {  	[simem:s6], [sflag:s4] =	dma.local [hbm:s3], $0xF7A  }
0x26: {  	[smem:$0x3F9E] =	sst s1;
	(tag) =	ssettag s2;
	_ =	strace s9  }
0x27: {  	s1 =	sld [smem:$0x3FAE]  }
0x28: {  	s2 =	sld [smem:$0x3FAF]  }
0x29: {  	s4 =	sld [smem:$0x3FB1]  }
0x2a: {  	p0 =	seq.s32 s5, $0x0;
	s5 =	sld [smem:$0x3FB2]  }
0x2b: {  	s6 =	sld [smem:$0x3FB3]  }
0x2c: {  	s7 =	sld [smem:$0x3FB4]  }
0x2d: {  	s3 =	simm.s32 $0x108;
	s8 =	sld [smem:$0x3FB5]  }
0x2e: {  	s3 =	simm.s32 @!p0 $0x1082;
	s9 =	sld [smem:$0x3FB6]  }
0x2f: {  	lr =	sadd.s32 s0, s3;
	s0 =	sld [smem:$0x3FAD]  }
0x30: {  	s3 =	sld [smem:$0x3FB0]  }
0x31: {  	[smem:$0x3FB9] =	sst s10  }
0x32: {  	s10 =	sld [smem:$0x3FB7];
	_ =	sdelay $0x3  }
0x33: {  	p0 =	seq.s32 s10, $0x1;
	s10 =	sld [smem:$0x3FB9];
	_ =	sdelay $0x3  }
0x34: {  	[smem:$0x3FB9] =	sst s10  }
0x35: {  	s10 =	sld [smem:$0x3FB8];
	_ =	sdelay $0x3  }
0x36: {  	p1 =	seq.s32 s10, $0x1;
	s10 =	sld [smem:$0x3FB9];
	_ =	sdelay $0x3  }
0x37: {  	[smem:$0x3FB9] =	sst s10  }
0x38: {  	s10 =	sld [smem:$0x3FBA]  }
0x39: {  	_ = 	snop;
	(pc) =	sbr.ind lr, $3  }
0x3a: {  	_ = 	snop  }
0x3b: {  	_ = 	snop  }
0x3c: {  	p2 =	seq.s32 s10, $0x1;
	s10 =	sld [smem:$0x3FB9]  }
0x3d: {  	_ =	shalt  }
0x3e: {  	_ =	shalt  }
0x3f: {  	_ =	shalt  }
0x40: {  	_ =	shalt  }
0x41: {  	_ =	shalt  }
0x42: {  	_ =	shalt  }
0x43: {  	_ =	shalt  }
0x44: {  	_ =	shalt  }
0x45: {  	_ =	shalt  }
0x46: {  	_ =	shalt  }
0x47: {  	_ =	shalt  }
0x48: {  	_ =	shalt  }
0x49: {  	_ =	shalt  }
0x4a: {  	_ =	shalt  }
0x4b: {  	_ =	shalt  }
0x4c: {  	_ =	shalt  }
0x4d: {  	_ =	shalt  }
0x4e: {  	_ =	shalt  }
0x4f: {  	_ =	shalt  }
0x50: {  	_ =	shalt  }
0x51: {  	_ =	shalt  }
0x52: {  	_ =	shalt  }
0x53: {  	_ =	shalt  }
0x54: {  	_ =	shalt  }
0x55: {  	_ =	shalt  }
0x56: {  	_ =	shalt  }
0x57: {  	_ =	shalt  }
0x58: {  	_ =	shalt  }
0x59: {  	_ =	shalt  }
0x5a: {  	_ =	shalt  }
0x5b: {  	_ =	shalt  }
0x5c: {  	_ =	shalt  }
0x5d: {  	_ =	shalt  }
0x5e: {  	_ =	shalt  }
0x5f: {  	_ =	shalt  }
0x60: {  	_ =	shalt  }
0x61: {  	_ =	shalt  }
0x62: {  	_ =	shalt  }
0x63: {  	_ =	shalt  }
0x64: {  	_ =	shalt  }
0x65: {  	_ =	shalt  }
0x66: {  	_ =	shalt  }
0x67: {  	_ =	shalt  }
0x68: {  	_ =	shalt  }
0x69: {  	_ =	shalt  }
0x6a: {  	_ =	shalt  }
0x6b: {  	_ =	shalt  }
0x6c: {  	_ =	shalt  }
0x6d: {  	_ =	shalt  }
0x6e: {  	_ =	shalt  }
0x6f: {  	_ =	shalt  }
0x70: {  	_ =	shalt  }
0x71: {  	_ =	shalt  }
0x72: {  	_ =	shalt  }
0x73: {  	_ =	shalt  }
0x74: {  	_ =	shalt  }
0x75: {  	_ =	shalt  }
0x76: {  	_ =	shalt  }
0x77: {  	_ =	shalt  }
0x78: {  	_ =	shalt  }
0x79: {  	_ =	shalt  }
0x7a: {  	_ =	shalt  }
0x7b: {  	_ =	shalt  }
0x7c: {  	_ =	shalt  }
0x7d: {  	_ =	shalt  }
0x7e: {  	_ =	shalt  }
0x7f: {  	_ =	shalt  }
0x80: {  	_ =	shalt  }
0x81: {  	_ =	shalt  }
0x82: {  	_ =	shalt  }
0x83: {  	_ =	shalt  }
0x84: {  	_ =	shalt  }
0x85: {  	_ =	shalt  }
0x86: {  	_ =	shalt  }
0x87: {  	_ =	shalt  }
.Lfunc_end0:
.L_simem_size_0:
called_computation.1_lowered:
.L_overlay_start_0:
0x88: {  	s2 =	sld [smem:$0x3FD9]  }
0x89: {  	s3 =	sld [smem:$0x3FFE];
	_ =	sdelay $0x1  }
0x8a: {  	s1 =	srdreg.scid  }
0x8b: {  	s0 =	sand.u32 $0x1, s1  }
0x8c: {  	s17 =	sshll.u32 s0, $0xA;
	s2 =	sadd.s32 s3, s2  }
0x8d: {  	s2 =	sadd.s32 s2, s17  }
0x8e: {  	[smem:$0x3FC5] =	sst s2  }
0x8f: {  	_ = 	snop  }
0x90: {  	s18 =	sld [smem:$0x3FD0];
	(tm) =	ssettm $0x1  }
0x91: {  	s19 =	sld [smem:$0x3FFB];
	_ =	sdelay $0x3  }
0x92: {  	_ =	strace s19  }
0x93: {  	s2 =	sld [smem:$0x3FFC];
	_ =	sdelay $0x3  }
0x94: {  	_ =	strace s2  }
0x95: {  	s2 =	sld [smem:$0x3FFD];
	_ =	sdelay $0x3  }
0x96: {  	_ =	strace s2  }
0x97: {  	_ =	strace $0x8FFFFFFF  }
0x98: {  	s20 =	sld [smem:$0x3FDB];
	_ =	sdelay $0x1  }
0x99: {  	s4 =	simm.s32 $_scs_section_size  }
0x9a: {  	s5 =	simm.s32 $_size__tile_overlayer_lowered;
	s6 =	simm.s32 $_tile_overlayer_lowered  }
0x9b: {  	s7 =	simm.s32 $0x1BFF;
	s21 =	sshll.u32 s6, $0x1;
	s4 =	sadd.s32 s4, s20  }
0x9c: {  	s22 =	simm.s32 $0x0;
	s5 =	sshll.u32 s5, $0x1;
	s6 =	sadd.s32 s21, s4  }
0x9d: {  	[timem:s22], [sflag:s7] =	dma.local [hbm:s6], s5  }
0x9e: {  	_ =	swait.ge [sflag:s7], s5  }
0x9f: {  	s5 =	ssub.s32 $0x0, s5;
	[sflag:s7] =	ssyncset.done $0x0  }
0xa0: {  	[sflag:s7] =	ssyncadd.s32 s5;
	_ =	sdelay $0x1  }
0xa1: {  	s23 =	simm.s32 $0x1B8B  }
0xa2: {  	_ =	swait.ge [sflag:s23], $0x1  }
0xa3: {  	[sflag:s23] =	ssyncset.done $0x0  }
0xa4: {  	[sflag:s23] =	ssyncadd.s32 $0xFFFFFFFF  }
0xa5: {  	s5 =	sld [smem:$0x0]  }
0xa6: {  	s6 =	sand.u32 $0xFFFFFFFE, s1  }
0xa7: {  	p0 =	sne.s32 s1, s6  }
0xa8: {  	s6 =	sshll.u32 @p0 s6, $0xE  }
0xa9: {  	s6 =	sadd.s32 @p0 $0x11B8D, s6;
	s7 =	sshll.u32 @p0 s5, $0x11  }
0xaa: {  	s6 =	sor.u32 @p0 s7, s6  }
0xab: {  	[sflag:s6] =	ssyncadd.remote.s32 @p0 $0x1;
	_ =	sdelay $0x1  }
0xac: {  	s6 =	simm.s32 @p0 $0x1B8D  }
0xad: {  	_ =	swait.eq @p0 [sflag:s6], $0x1  }
0xae: {  	[sflag:s6] =	ssyncadd.s32 @p0 $0xFFFFFFFF  }
0xaf: {  	s7 =	sshll.u32 @!p0 s1, $0xE  }
0xb0: {  	s7 =	sor.u32 @!p0 $0x4000, s7;
	s6 =	simm.s32 @!p0 $0x1B8D  }
0xb1: {  	s5 =	sshll.u32 @!p0 s5, $0x11;
	s7 =	sadd.s32 @!p0 $0x11B8D, s7;
	_ =	swait.eq @!p0 [sflag:s6], $0x1  }
0xb2: {  	s5 =	sor.u32 @!p0 s5, s7;
	[sflag:s6] =	ssyncadd.s32 @!p0 $0xFFFFFFFF  }
0xb3: {  	s25 =	simm.s32 $0x1B8E;
	s24 =	sld [smem:$0x3FFE];
	[sflag:s5] =	ssyncadd.remote.s32 @!p0 $0x1  }
0xb4: {  	s26 =	simm.s32 $execute0_lowered;
	[smem:$0x3FD2] =	sst s25  }
0xb5: {  	s6 =	sshll.u32 s26, $0x1;
	_ =	strace $0x80000049;
	[dreg:$0x1] =	wrdreg $0xFFFFFFFF  }
0xb6: {  	s28 =	simm.s32 $_size_execute0_lowered;
	s4 =	sadd.s32 s4, s6;
	[dreg:$0x0] =	wrdreg $0x0  }
0xb7: {  	s6 =	sshll.u32 s28, $0x1;
	[dreg:$0x2] =	wrdreg s4  }
0xb8: {  	[dreg:$0x3] =	wrdreg s6  }
0xb9: {  	[dreg:$0x4] =	wrdreg $0xC0  }
0xba: {  	_ =	task [dreg:s22], $0x5FFFF  }
0xbb: {  	[dreg:$0x1] =	wrdreg $0xFFFFFFFF  }
0xbc: {  	[dreg:$0x0] =	wrdreg $0x60  }
0xbd: {  	[dreg:$0x2] =	wrdreg s18  }
0xbe: {  	[dreg:$0x3] =	wrdreg s24  }
0xbf: {  	[dreg:$0x4] =	wrdreg $0xA  }
0xc0: {  	_ =	task.clear_ibuf [dreg:s22], $0x5FFFF;
	_ =	strace $0x90000049  }
0xc1: {  	s29 =	simm.s32 $0xA;
	_ =	strace $0x8000004B  }
0xc2: {  	_ =	swait.ge [sflag:s29], $0x1  }
0xc3: {  	[sflag:s29] =	ssyncadd.s32 $0xFFFFFFFF  }
0xc4: {  	_ =	strace $0x9000004B  }
0xc5: {  	_ =	sfence  }
0xc6: {  	s30 =	sld [smem:$0x0];
	_ =	sdelay $0x2  }
0xc7: {  	s31 =	sshll.u32 s1, $0xD;
	s1 =	sshrl.u32 s1, $0x2  }
0xc8: {  	s4 =	sand.u32 $0x4000, s31;
	s1 =	sadd.s32 s1, s30  }
0xc9: {  	s0 =	sor.u32 s4, s0;
	s1 =	sshll.u32 s1, $0x11  }
0xca: {  	s0 =	sor.u32 s1, s0  }
0xcb: {  	s0 =	sadd.s32 $0x8F2B, s0  }
0xcc: {  	[sflag:s0] =	ssyncadd.remote.s32 $0x1  }
0xcd: {  	_ =	sfence.sel $0xFFFF  }
0xce: {  	[dreg:$0x0] =	wrdreg $0xFFFFFFFF;
	(pc) =	sbr.abs _section_cstart, $3  }
0xcf: {  	[dreg:$0x1] =	wrdreg $0xFFFFFFFF  }
0xd0: {  	_ =	task.clear_ibuf [dreg:s22], $0x2FFFF;
	_ =	strace $0x9FFFFFFF  }
0xd1: {  	(tm) =	ssettm $0x7FFFFFFF  }
tec
execute0_lowered:
.L_overlay_start_1:
0x0: {  	(tag) =	ssettag $0x1  }
0x1: {  	s2 =	rddreg [dreg:$0x0];
	s1 =	srdreg.scid  }
0x2: {  	s0 =	stileid.u32;
	s4 =	rddreg [dreg:$0x1]  }
0x3: {  	s3 =	simm.s32 $0x0;
	s15 =	simm.s32 $0x1620;
	s16 =	simm.s32 $0xC0  }
0x4: {  	s17 =	simm.s32 $0x2220;
	s18 =	simm.s32 $0x1;
	s19 =	simm.s32 $0x2  }
0x5: {  	s20 =	simm.s32 $0x3;
	s21 =	simm.s32 $0x0;
	s9 =	smul.u32 $0x1440, s0  }
0x6: {  	s8 =	sand.u32 $0x1, s1;
	s1 =	rddreg [dreg:$0x2];
	s31 =	smul.u32 $0x5100, s0  }
0x7: {  	s5 =	sshll.u32 s0, $0x1;
	[smem:$0x7FF] =	sst s3;
	s11 =	smul.u32 $0xA20, s8  }
0x8: {  	s12 =	sadd.s32 $0x61000, s4;
	s5 =	sor.u32 s8, s5;
	s14 =	smul.u32 $0x2880, s8  }
0x9: {  	_ =	strace $0x8000004A;
	s28 =	ssub.s32 $0x2, s8;
	s6 =	smul.u32 $0xA20, s5  }
0xa: {  	s7 =	smul.u32 $0x2880, s5;
	s10 =	sshrl.u32 s28, $0x1;
	s30 =	sadd.s32 s11, s9  }
0xb: {  	s11 =	sadd.s32 s31, s12;
	s26 =	sshrl.u32 s6, $0x3;
	s6 =	ssub.s32 s28, s10  }
0xc: {  	s29 =	sadd.s32 s12, s7;
	s9 =	sshll.u32 s30, $0x2;
	s11 =	sadd.s32 s14, s11  }
0xd: {  	s14 =	simm.s32 $0xA20;
	s5 =	sadd.s32 s26, s4;
	s7 =	sadd.s32 $0x2580, s29  }
0xe: {  	s13 =	sadd.s32 s12, s9;
	s8 =	sadd.s32 $0x2700, s29;
	s12 =	simm.s32 $0x4  }
0xf: {  	s4 =	sadd.s32 $0x5E600, s5;
	s5 =	smax.u32 s6, $0x1;
	s6 =	sadd.s32 $0x2400, s29  }
0x10: {  	s9 =	sadd.s32 $0x300, s13;
	s10 =	sadd.s32 $0x180, s13;
	s13 =	simm.s32 $0x60  }
.LBB2_1:
0x11: {  	[tilespmem:s3], [sflag:$0x4] =	stream.linear.gather [hbm4b:s4+s3], $0xA20, $0x38;
	[tilespmem:$0x2E20] =	vst v63  }
0x12: {  	_ =	swait.ge [sflag:s12], $0xA20  }
0x13: {  	[sflag:s12] =	ssyncset.done $0x0  }
0x14: {  	[sflag:s12] =	ssyncadd.s32 $0xFFFFF5E0  }
0x15: {  	[tilespmem:s14], [sflag:$0x1] =	stream.indirect.gather [hbm4b:s2+s13], $0x20, s3, s13, $0xb8;
	[tilespmem:$0x2E20] =	vst v63  }
0x16: {  	_ = 	snop  }
0x17: {  	[tilespmem:s15], [sflag:$0x2] =	stream.indirect.gather [hbm4b:s2+s13], $0x20, s13, s13, $0xb8;
	[tilespmem:$0x2E20] =	vst v63  }
0x18: {  	_ = 	snop  }
0x19: {  	[tilespmem:s17], [sflag:$0x3] =	stream.indirect.gather [hbm4b:s2+s13], $0x20, s16, s13, $0xb8;
	[tilespmem:$0x2E20] =	vst v63  }
0x1a: {  	_ =	swait.ge [sflag:s18], $0xC00  }
0x1b: {  	[sflag:s18] =	ssyncset.done $0x0  }
0x1c: {  	s22 =	sadd.s32 $0x0, s11;
	[sflag:s18] =	ssyncadd.s32 $0xFFFFF400  }
0x1d: {  	[hbm4b:s22+s3] =	stream.linear.scatter [tilespmem:s14], [sflag:$0x4], $0xC00, $0x38;
	[tilespmem:$0x2E20] =	vst v63  }
0x1e: {  	_ =	swait.ge [sflag:s12], $0xC00  }
0x1f: {  	[sflag:s12] =	ssyncset.done $0x0  }
0x20: {  	s28 =	simm.s32 $0x120;
	[sflag:s12] =	ssyncadd.s32 $0xFFFFF400  }
0x21: {  	[tilespmem:s14], [sflag:$0x1] =	stream.indirect.gather [hbm4b:s2+s13], $0x20, s28, s13, $0xb8;
	[tilespmem:$0x2E20] =	vst v63  }
0x22: {  	_ =	swait.ge [sflag:s19], $0xC00  }
0x23: {  	[sflag:s19] =	ssyncset.done $0x0  }
0x24: {  	s29 =	sadd.s32 $0x0, s10;
	[sflag:s19] =	ssyncadd.s32 $0xFFFFF400  }
0x25: {  	[hbm4b:s29+s3] =	stream.linear.scatter [tilespmem:s15], [sflag:$0x4], $0xC00, $0x38;
	[tilespmem:$0x2E20] =	vst v63  }
0x26: {  	_ =	swait.ge [sflag:s12], $0xC00  }
0x27: {  	[sflag:s12] =	ssyncset.done $0x0  }
0x28: {  	s30 =	simm.s32 $0x180;
	[sflag:s12] =	ssyncadd.s32 $0xFFFFF400  }
0x29: {  	[tilespmem:s15], [sflag:$0x2] =	stream.indirect.gather [hbm4b:s2+s13], $0x20, s30, s13, $0xb8;
	[tilespmem:$0x2E20] =	vst v63  }
0x2a: {  	_ =	swait.ge [sflag:s20], $0xC00  }
0x2b: {  	[sflag:s20] =	ssyncset.done $0x0  }
0x2c: {  	s31 =	sadd.s32 $0x0, s9;
	[sflag:s20] =	ssyncadd.s32 $0xFFFFF400  }
0x2d: {  	[hbm4b:s31+s3] =	stream.linear.scatter [tilespmem:s17], [sflag:$0x4], $0xC00, $0x38;
	[tilespmem:$0x2E20] =	vst v63  }
0x2e: {  	_ =	swait.ge [sflag:s12], $0xC00  }
0x2f: {  	[sflag:s12] =	ssyncset.done $0x0  }
0x30: {  	s23 =	simm.s32 $0x1E0;
	s22 =	simm.s32 $0x480;
	[sflag:s12] =	ssyncadd.s32 $0xFFFFF400  }
.LBB2_2:
0x31: {  	[tilespmem:s17], [sflag:$0x3] =	stream.indirect.gather [hbm4b:s2+s13], $0x20, s23, s13, $0xb8;
	[tilespmem:$0x2E20] =	vst v63  }
0x32: {  	s23 =	smov.u32 s22  }
0x33: {  	p0 =	sne.s32 s22, $0x1F80;
	s22 =	sadd.s32 $0x480, s22;
	_ =	swait.ge [sflag:s18], $0xC00  }
0x34: {  	[sflag:s18] =	ssyncset.done $0x0  }
0x35: {  	s24 =	sadd.s32 s23, s11;
	[sflag:s18] =	ssyncadd.s32 $0xFFFFF400  }
0x36: {  	[hbm4b:s24+s3] =	stream.linear.scatter [tilespmem:s14], [sflag:$0x4], $0xC00, $0x38;
	[tilespmem:$0x2E20] =	vst v63  }
0x37: {  	_ =	swait.ge [sflag:s12], $0xC00  }
0x38: {  	s24 =	sshra.s32 s23, $0x2;
	[sflag:s12] =	ssyncset.done $0x0  }
0x39: {  	s25 =	sadd.s32 $0x120, s24;
	[sflag:s12] =	ssyncadd.s32 $0xFFFFF400  }
0x3a: {  	[tilespmem:s14], [sflag:$0x1] =	stream.indirect.gather [hbm4b:s2+s13], $0x20, s25, s13, $0xb8;
	[tilespmem:$0x2E20] =	vst v63  }
0x3b: {  	_ =	swait.ge [sflag:s19], $0xC00  }
0x3c: {  	[sflag:s19] =	ssyncset.done $0x0  }
0x3d: {  	s25 =	sadd.s32 s23, s10;
	[sflag:s19] =	ssyncadd.s32 $0xFFFFF400  }
0x3e: {  	[hbm4b:s25+s3] =	stream.linear.scatter [tilespmem:s15], [sflag:$0x4], $0xC00, $0x38;
	[tilespmem:$0x2E20] =	vst v63  }
0x3f: {  	_ =	swait.ge [sflag:s12], $0xC00  }
0x40: {  	[sflag:s12] =	ssyncset.done $0x0  }
0x41: {  	s25 =	sadd.s32 $0x180, s24;
	[sflag:s12] =	ssyncadd.s32 $0xFFFFF400  }
0x42: {  	[tilespmem:s15], [sflag:$0x2] =	stream.indirect.gather [hbm4b:s2+s13], $0x20, s25, s13, $0xb8;
	[tilespmem:$0x2E20] =	vst v63  }
0x43: {  	_ =	swait.ge [sflag:s20], $0xC00  }
0x44: {  	[sflag:s20] =	ssyncset.done $0x0  }
.Ltmp0:
0x45: {  	s23 =	sadd.s32 s23, s9;
	[sflag:s20] =	ssyncadd.s32 $0xFFFFF400;
	(pc) =	sbr.rel @p0 .LBB2_2-.Ltmp0, $4  }
0x46: {  	[hbm4b:s23+s3] =	stream.linear.scatter [tilespmem:s17], [sflag:$0x4], $0xC00, $0x38;
	[tilespmem:$0x2E20] =	vst v63  }
0x47: {  	_ =	swait.ge [sflag:s12], $0xC00  }
0x48: {  	[sflag:s12] =	ssyncset.done $0x0  }
0x49: {  	s23 =	sadd.s32 $0x1E0, s24;
	[sflag:s12] =	ssyncadd.s32 $0xFFFFF400  }
0x4a: {  	[tilespmem:s17], [sflag:$0x3] =	stream.indirect.gather [hbm4b:s2+s13], $0x20, s23, s13, $0xb8;
	[tilespmem:$0x2E20] =	vst v63  }
0x4b: {  	_ =	swait.ge [sflag:s18], $0xC00  }
0x4c: {  	[sflag:s18] =	ssyncset.done $0x0  }
0x4d: {  	[sflag:s18] =	ssyncadd.s32 $0xFFFFF400  }
0x4e: {  	[hbm4b:s6+s3] =	stream.linear.scatter [tilespmem:s14], [sflag:$0x4], $0xC00, $0x38;
	[tilespmem:$0x2E20] =	vst v63  }
0x4f: {  	_ =	swait.ge [sflag:s12], $0xC00  }
0x50: {  	[sflag:s12] =	ssyncset.done $0x0  }
0x51: {  	[sflag:s12] =	ssyncadd.s32 $0xFFFFF400  }
0x52: {  	_ =	swait.ge [sflag:s19], $0xC00  }
0x53: {  	[sflag:s19] =	ssyncset.done $0x0  }
0x54: {  	[sflag:s19] =	ssyncadd.s32 $0xFFFFF400  }
0x55: {  	[hbm4b:s7+s3] =	stream.linear.scatter [tilespmem:s15], [sflag:$0x4], $0xC00, $0x38;
	[tilespmem:$0x2E20] =	vst v63  }
0x56: {  	_ =	swait.ge [sflag:s12], $0xC00  }
0x57: {  	[sflag:s12] =	ssyncset.done $0x0  }
0x58: {  	[sflag:s12] =	ssyncadd.s32 $0xFFFFF400  }
0x59: {  	s21 =	sadd.s32 $0x1, s21;
	_ =	swait.ge [sflag:s20], $0xC00  }
0x5a: {  	p0 =	sne.s32 s21, s5;
	[sflag:s20] =	ssyncset.done $0x0  }
.Ltmp1:
0x5b: {  	[sflag:s20] =	ssyncadd.s32 $0xFFFFF400;
	(pc) =	sbr.rel @p0 .LBB2_1-.Ltmp1, $4  }
0x5c: {  	[hbm4b:s8+s3] =	stream.linear.scatter [tilespmem:s17], [sflag:$0x4], $0xC00, $0x38;
	[tilespmem:$0x2E20] =	vst v63  }
0x5d: {  	_ =	swait.ge [sflag:s12], $0xC00  }
0x5e: {  	[sflag:s12] =	ssyncset.done $0x0  }
0x5f: {  	[sflag:s12] =	ssyncadd.s32 $0xFFFFF400  }
0x60: {  	_ =	sfence.sel $0x180000  }
0x61: {  	[bflag:$0x0] =	sbarrier.arrive $0xFFFF  }
0x62: {  	p0 =	sne.s32 s0, $0x0;
	_ =	strace $0x9000004A  }
0x63: {  	s0 =	sadd.s32 @!p0 $0x100000, s1;
	[bflag:$0x2] =	sbarrier.arrive $0xFFFF  }
0x64: {  	[sflag:s0] =	ssyncadd.tile.s32 @!p0 $0x1;
	_ =	shalt  }
.Lfunc_end2:
_tile_overlayer_lowered:
.L_overlay_start_2:
0x65: {  	(tag) =	ssettag $0x2  }
0x66: {  	s0 =	rddreg [dreg:$0x0];
	s2 =	stileid.u32  }
0x67: {  	s1 =	rddreg [dreg:$0x1];
	p0 =	sne.s32 s2, $0x0  }
0x68: {  	s3 =	rddreg [dreg:$0x2];
	[bflag:$0x3] =	sbarrier.arrive $0xFFFF;
	s2 =	simm.s32 @!p0 $0x1C04  }
0x69: {  	[timem:s3], [sflag:s2] =	dma.local @!p0 [hbm:s0], s1  }
0x6a: {  	s0 =	simm.s32 @!p0 $0x4  }
0x6b: {  	_ =	swait.ge @!p0 [sflag:s0], s1  }
0x6c: {  	s1 =	ssub.s32 @!p0 $0x0, s1;
	[sflag:s0] =	ssyncset.done @!p0 $0x0  }
0x6d: {  	[sflag:s0] =	ssyncadd.s32 @!p0 s1  }
0x6e: {  	[bflag:$0x3] =	sbarrier.arrive $0xFFFF  }
0x6f: {  	_ =	shalt  }

// kernel: kernel.8.cloned.1.call-start
scs
__scs_entry_jumppad:
0x0: {  	(pc) =	sbr.rel $0x88, $3  }
0x1: {  	(tag) =	ssettag $0x0;
	lr =	simm.s32 $0x1  }
0x2: {  	[smem:$0x3F9E] =	sst lr;
	_ =	strace $0xD0000000  }
0x3: {  	_ = 	snop  }
0x4: {  	_ = 	snop  }
0x5: {  	_ = 	snop  }
0x6: {  	_ = 	snop  }
0x7: {  	_ = 	snop  }
__scs_overlays_trampoline_lowered:
0x8: {  	[smem:$0x3FAD] =	sst s0  }
0x9: {  	[smem:$0x3FAE] =	sst s1  }
0xa: {  	[smem:$0x3FAF] =	sst s2  }
0xb: {  	[smem:$0x3FB0] =	sst s3  }
0xc: {  	[smem:$0x3FB1] =	sst s4  }
0xd: {  	[smem:$0x3FB2] =	sst s5  }
0xe: {  	[smem:$0x3FB3] =	sst s6  }
0xf: {  	[smem:$0x3FB4] =	sst s7  }
0x10: {  	[smem:$0x3FB5] =	sst s8  }
0x11: {  	[smem:$0x3FB6] =	sst s9;
	s0 =	simm.s32 @!p0 $0x0  }
0x12: {  	s1 =	sld [smem:$0x3F9C];
	s0 =	simm.s32 @p0 $0x1  }
0x13: {  	[smem:$0x3FB7] =	sst s0;
	s0 =	simm.s32 @!p1 $0x0  }
0x14: {  	s2 =	sld [smem:$0x3F9B];
	s0 =	simm.s32 @p1 $0x1  }
0x15: {  	[smem:$0x3FB8] =	sst s0;
	s0 =	simm.s32 @!p2 $0x0  }
0x16: {  	s3 =	sld [smem:$0x3FDB];
	s0 =	simm.s32 @p2 $0x1  }
0x17: {  	s4 =	simm.s32 $0x1BF5;
	[smem:$0x3FBA] =	sst s0  }
0x18: {  	s0 =	sld [smem:$0x3F9D];
	_ =	swait.ge [sflag:s4], $0x0  }
0x19: {  	s7 =	sld [smem:$0x3F9E]  }
0x1a: {  	s8 =	sadd.s32 $0xFFFFE003, lr  }
0x1b: {  	s9 =	sadd.s32 $0xFFFFFEF7, lr;
	s5 =	simm.s32 $0xFFFFFFFF;
	p2 =	slt.u32 s8, $0xFFFFF086  }
0x1c: {  	p1 =	slt.u32 s9, $0xF7A;
	s5 =	simm.s32 @!p2 $0x0  }
0x1d: {  	s5 =	simm.s32 @p1 $0x1;
	p0 =	seq.s32 s7, s2  }
0x1e: {  	s7 =	smul.u32 @!p0 $0xF7A, s2;
	p2 =	seq.s32 @!p0 s5, $0x0  }
0x1f: {  	s9 =	smul.u32 $0xF7A, s1;
	s8 =	simm.s32 @!p0 $0x1BF5;
	p2 =	por !p2, p0  }
0x20: {  	[sflag:s8] =	ssyncset.s32 @!p0 $0xFFFFF086;
	s6 =	sadd.s32 @!p0 s3, s7;
	s7 =	simm.s32 @!p0 $0x108  }
0x21: {  	s3 =	sadd.s32 s3, s9;
	s6 =	sadd.s32 @!p0 $0x88, s6;
	s7 =	simm.s32 @p2 $0x1082  }
0x22: {  	[simem:s7], [sflag:s8] =	dma.local @!p0 [hbm:s6], $0xF7A  }
0x23: {  	s9 =	sor.u32 $0xD0000000, s2;
	s6 =	simm.s32 $0x108;
	_ =	swait.ge @!p0 [sflag:s8], $0x0  }
0x24: {  	s3 =	sadd.s32 $0x88, s3;
	s6 =	simm.s32 @!p1 $0x1082;
	[sflag:s4] =	ssyncset.s32 $0xFFFFF086  }
0x25: {  	[simem:s6], [sflag:s4] =	dma.local [hbm:s3], $0xF7A  }
0x26: {  	[smem:$0x3F9E] =	sst s1;
	(tag) =	ssettag s2;
	_ =	strace s9  }
0x27: {  	s1 =	sld [smem:$0x3FAE]  }
0x28: {  	s2 =	sld [smem:$0x3FAF]  }
0x29: {  	s4 =	sld [smem:$0x3FB1]  }
0x2a: {  	p0 =	seq.s32 s5, $0x0;
	s5 =	sld [smem:$0x3FB2]  }
0x2b: {  	s6 =	sld [smem:$0x3FB3]  }
0x2c: {  	s7 =	sld [smem:$0x3FB4]  }
0x2d: {  	s3 =	simm.s32 $0x108;
	s8 =	sld [smem:$0x3FB5]  }
0x2e: {  	s3 =	simm.s32 @!p0 $0x1082;
	s9 =	sld [smem:$0x3FB6]  }
0x2f: {  	lr =	sadd.s32 s0, s3;
	s0 =	sld [smem:$0x3FAD]  }
0x30: {  	s3 =	sld [smem:$0x3FB0]  }
0x31: {  	[smem:$0x3FB9] =	sst s10  }
0x32: {  	s10 =	sld [smem:$0x3FB7];
	_ =	sdelay $0x3  }
0x33: {  	p0 =	seq.s32 s10, $0x1;
	s10 =	sld [smem:$0x3FB9];
	_ =	sdelay $0x3  }
0x34: {  	[smem:$0x3FB9] =	sst s10  }
0x35: {  	s10 =	sld [smem:$0x3FB8];
	_ =	sdelay $0x3  }
0x36: {  	p1 =	seq.s32 s10, $0x1;
	s10 =	sld [smem:$0x3FB9];
	_ =	sdelay $0x3  }
0x37: {  	[smem:$0x3FB9] =	sst s10  }
0x38: {  	s10 =	sld [smem:$0x3FBA]  }
0x39: {  	_ = 	snop;
	(pc) =	sbr.ind lr, $3  }
0x3a: {  	_ = 	snop  }
0x3b: {  	_ = 	snop  }
0x3c: {  	p2 =	seq.s32 s10, $0x1;
	s10 =	sld [smem:$0x3FB9]  }
0x3d: {  	_ =	shalt  }
0x3e: {  	_ =	shalt  }
0x3f: {  	_ =	shalt  }
0x40: {  	_ =	shalt  }
0x41: {  	_ =	shalt  }
0x42: {  	_ =	shalt  }
0x43: {  	_ =	shalt  }
0x44: {  	_ =	shalt  }
0x45: {  	_ =	shalt  }
0x46: {  	_ =	shalt  }
0x47: {  	_ =	shalt  }
0x48: {  	_ =	shalt  }
0x49: {  	_ =	shalt  }
0x4a: {  	_ =	shalt  }
0x4b: {  	_ =	shalt  }
0x4c: {  	_ =	shalt  }
0x4d: {  	_ =	shalt  }
0x4e: {  	_ =	shalt  }
0x4f: {  	_ =	shalt  }
0x50: {  	_ =	shalt  }
0x51: {  	_ =	shalt  }
0x52: {  	_ =	shalt  }
0x53: {  	_ =	shalt  }
0x54: {  	_ =	shalt  }
0x55: {  	_ =	shalt  }
0x56: {  	_ =	shalt  }
0x57: {  	_ =	shalt  }
0x58: {  	_ =	shalt  }
0x59: {  	_ =	shalt  }
0x5a: {  	_ =	shalt  }
0x5b: {  	_ =	shalt  }
0x5c: {  	_ =	shalt  }
0x5d: {  	_ =	shalt  }
0x5e: {  	_ =	shalt  }
0x5f: {  	_ =	shalt  }
0x60: {  	_ =	shalt  }
0x61: {  	_ =	shalt  }
0x62: {  	_ =	shalt  }
0x63: {  	_ =	shalt  }
0x64: {  	_ =	shalt  }
0x65: {  	_ =	shalt  }
0x66: {  	_ =	shalt  }
0x67: {  	_ =	shalt  }
0x68: {  	_ =	shalt  }
0x69: {  	_ =	shalt  }
0x6a: {  	_ =	shalt  }
0x6b: {  	_ =	shalt  }
0x6c: {  	_ =	shalt  }
0x6d: {  	_ =	shalt  }
0x6e: {  	_ =	shalt  }
0x6f: {  	_ =	shalt  }
0x70: {  	_ =	shalt  }
0x71: {  	_ =	shalt  }
0x72: {  	_ =	shalt  }
0x73: {  	_ =	shalt  }
0x74: {  	_ =	shalt  }
0x75: {  	_ =	shalt  }
0x76: {  	_ =	shalt  }
0x77: {  	_ =	shalt  }
0x78: {  	_ =	shalt  }
0x79: {  	_ =	shalt  }
0x7a: {  	_ =	shalt  }
0x7b: {  	_ =	shalt  }
0x7c: {  	_ =	shalt  }
0x7d: {  	_ =	shalt  }
0x7e: {  	_ =	shalt  }
0x7f: {  	_ =	shalt  }
0x80: {  	_ =	shalt  }
0x81: {  	_ =	shalt  }
0x82: {  	_ =	shalt  }
0x83: {  	_ =	shalt  }
0x84: {  	_ =	shalt  }
0x85: {  	_ =	shalt  }
0x86: {  	_ =	shalt  }
0x87: {  	_ =	shalt  }
.Lfunc_end0:
.L_simem_size_0:
called_computation_lowered:
.L_overlay_start_0:
0x88: {  	s2 =	sld [smem:$0x3FD9]  }
0x89: {  	s3 =	sld [smem:$0x3FFE];
	_ =	sdelay $0x1  }
0x8a: {  	s1 =	srdreg.scid  }
0x8b: {  	s0 =	sand.u32 $0x1, s1  }
0x8c: {  	s16 =	sshll.u32 s0, $0xA;
	s2 =	sadd.s32 s3, s2  }
0x8d: {  	s2 =	sadd.s32 s2, s16  }
0x8e: {  	[smem:$0x3FC5] =	sst s2  }
0x8f: {  	_ = 	snop  }
0x90: {  	(tm) =	ssettm $0x1  }
0x91: {  	s17 =	sld [smem:$0x3FFB];
	_ =	sdelay $0x3  }
0x92: {  	_ =	strace s17  }
0x93: {  	s2 =	sld [smem:$0x3FFC];
	_ =	sdelay $0x3  }
0x94: {  	_ =	strace s2  }
0x95: {  	s2 =	sld [smem:$0x3FFD];
	_ =	sdelay $0x3  }
0x96: {  	_ =	strace s2  }
0x97: {  	_ =	strace $0x8FFFFFFF  }
0x98: {  	s18 =	sld [smem:$0x3FDB];
	_ =	sdelay $0x1  }
0x99: {  	s19 =	simm.s32 $_scs_section_size  }
0x9a: {  	s4 =	simm.s32 $_size__tile_overlayer_lowered;
	s5 =	simm.s32 $_tile_overlayer_lowered  }
0x9b: {  	s22 =	simm.s32 $0x1BFF;
	s21 =	sshll.u32 s5, $0x1;
	s2 =	sadd.s32 s19, s18  }
0x9c: {  	s6 =	simm.s32 $0x0;
	s20 =	sshll.u32 s4, $0x1;
	s4 =	sadd.s32 s21, s2  }
0x9d: {  	[timem:s6], [sflag:s22] =	dma.local [hbm:s4], s20  }
0x9e: {  	_ =	swait.ge [sflag:s22], s20  }
0x9f: {  	s3 =	ssub.s32 $0x0, s20;
	[sflag:s22] =	ssyncset.done $0x0  }
0xa0: {  	[sflag:s22] =	ssyncadd.s32 s3;
	_ =	sdelay $0x1  }
0xa1: {  	s23 =	simm.s32 $0x1B8B  }
0xa2: {  	_ =	swait.ge [sflag:s23], $0x1  }
0xa3: {  	[sflag:s23] =	ssyncset.done $0x0  }
0xa4: {  	s25 =	simm.s32 $0x1B8E;
	s24 =	sld [smem:$0x3FFE];
	[sflag:s23] =	ssyncadd.s32 $0xFFFFFFFF  }
0xa5: {  	s26 =	simm.s32 $execute0_lowered;
	[smem:$0x3FD2] =	sst s25  }
0xa6: {  	s4 =	sshll.u32 s26, $0x1;
	_ =	strace $0x80000046;
	[dreg:$0x1] =	wrdreg $0xFFFFFFFF  }
0xa7: {  	s28 =	simm.s32 $_size_execute0_lowered;
	s2 =	sadd.s32 s2, s4;
	[dreg:$0x0] =	wrdreg $0x0  }
0xa8: {  	s4 =	sshll.u32 s28, $0x1;
	[dreg:$0x2] =	wrdreg s2  }
0xa9: {  	[dreg:$0x3] =	wrdreg s4  }
0xaa: {  	[dreg:$0x4] =	wrdreg $0xC0  }
0xab: {  	_ =	task [dreg:s6], $0x5FFFF  }
0xac: {  	[dreg:$0x1] =	wrdreg $0xFFFFFFFF  }
0xad: {  	[dreg:$0x0] =	wrdreg $0x60  }
0xae: {  	[dreg:$0x2] =	wrdreg s24  }
0xaf: {  	[dreg:$0x3] =	wrdreg $0x9  }
0xb0: {  	_ =	task.clear_ibuf [dreg:s6], $0x4FFFF;
	_ =	strace $0x90000046  }
0xb1: {  	s29 =	simm.s32 $0x9;
	_ =	strace $0x80000048  }
0xb2: {  	_ =	swait.ge [sflag:s29], $0x1  }
0xb3: {  	[sflag:s29] =	ssyncadd.s32 $0xFFFFFFFF  }
0xb4: {  	_ =	strace $0x90000048  }
0xb5: {  	_ =	sfence  }
0xb6: {  	s30 =	sld [smem:$0x0];
	_ =	sdelay $0x2  }
0xb7: {  	s31 =	sshll.u32 s1, $0xD;
	s1 =	sshrl.u32 s1, $0x2  }
0xb8: {  	s3 =	sand.u32 $0x4000, s31;
	s1 =	sadd.s32 s1, s30  }
0xb9: {  	s0 =	sor.u32 s3, s0;
	s1 =	sshll.u32 s1, $0x11  }
0xba: {  	s0 =	sor.u32 s1, s0  }
0xbb: {  	s0 =	sadd.s32 $0x8F2B, s0  }
0xbc: {  	[sflag:s0] =	ssyncadd.remote.s32 $0x1  }
0xbd: {  	_ =	sfence.sel $0xFFFF  }
0xbe: {  	[dreg:$0x0] =	wrdreg $0xFFFFFFFF;
	(pc) =	sbr.abs _section_cstart, $3  }
0xbf: {  	[dreg:$0x1] =	wrdreg $0xFFFFFFFF  }
0xc0: {  	_ =	task.clear_ibuf [dreg:s6], $0x2FFFF;
	_ =	strace $0x9FFFFFFF  }
0xc1: {  	(tm) =	ssettm $0x7FFFFFFF  }
tec
execute0_lowered:
.L_overlay_start_1:
0x0: {  	(tag) =	ssettag $0x1  }
0x1: {  	s1 =	srdreg.scid  }
0x2: {  	s0 =	stileid.u32;
	s4 =	rddreg [dreg:$0x0];
	s2 =	simm.s32 $0x0  }
0x3: {  	s15 =	simm.s32 $0x1620;
	s16 =	simm.s32 $0xC0;
	s17 =	simm.s32 $0x2220  }
0x4: {  	s18 =	simm.s32 $0x1;
	s19 =	simm.s32 $0x2;
	s20 =	simm.s32 $0x3  }
0x5: {  	s21 =	simm.s32 $0x0;
	s8 =	sand.u32 $0x1, s1;
	s9 =	smul.u32 $0x1440, s0  }
0x6: {  	s3 =	sshll.u32 s0, $0x1;
	s1 =	rddreg [dreg:$0x1];
	s31 =	smul.u32 $0x5100, s0  }
0x7: {  	[smem:$0x7FF] =	sst s2;
	s12 =	sadd.s32 $0xD600, s4;
	s11 =	smul.u32 $0xA20, s8  }
0x8: {  	s5 =	sor.u32 s8, s3;
	_ =	strace $0x80000047;
	s14 =	smul.u32 $0x2880, s8  }
0x9: {  	s3 =	sadd.s32 $0x1C00, s4;
	s28 =	ssub.s32 $0x2, s8;
	s6 =	smul.u32 $0xA20, s5  }
0xa: {  	s7 =	smul.u32 $0x2880, s5;
	s10 =	sshrl.u32 s28, $0x1;
	s30 =	sadd.s32 s11, s9  }
0xb: {  	s11 =	sadd.s32 s31, s12;
	s26 =	sshrl.u32 s6, $0x3;
	s6 =	ssub.s32 s28, s10  }
0xc: {  	s29 =	sadd.s32 s12, s7;
	s9 =	sshll.u32 s30, $0x2;
	s11 =	sadd.s32 s14, s11  }
0xd: {  	s14 =	simm.s32 $0xA20;
	s5 =	sadd.s32 s26, s4;
	s7 =	sadd.s32 $0x2580, s29  }
0xe: {  	s13 =	sadd.s32 s12, s9;
	s8 =	sadd.s32 $0x2700, s29;
	s12 =	simm.s32 $0x4  }
0xf: {  	s4 =	sadd.s32 $0xAC00, s5;
	s5 =	smax.u32 s6, $0x1;
	s6 =	sadd.s32 $0x2400, s29  }
0x10: {  	s9 =	sadd.s32 $0x300, s13;
	s10 =	sadd.s32 $0x180, s13;
	s13 =	simm.s32 $0x60  }
.LBB2_1:
0x11: {  	[tilespmem:s2], [sflag:$0x4] =	stream.linear.gather [hbm4b:s4+s2], $0xA20, $0x38;
	[tilespmem:$0x2E20] =	vst v63  }
0x12: {  	_ =	swait.ge [sflag:s12], $0xA20  }
0x13: {  	[sflag:s12] =	ssyncset.done $0x0  }
0x14: {  	[sflag:s12] =	ssyncadd.s32 $0xFFFFF5E0  }
0x15: {  	[tilespmem:s14], [sflag:$0x1] =	stream.indirect.gather [hbm4b:s3+s13], $0x20, s2, s13, $0xb8;
	[tilespmem:$0x2E20] =	vst v63  }
0x16: {  	_ = 	snop  }
0x17: {  	[tilespmem:s15], [sflag:$0x2] =	stream.indirect.gather [hbm4b:s3+s13], $0x20, s13, s13, $0xb8;
	[tilespmem:$0x2E20] =	vst v63  }
0x18: {  	_ = 	snop  }
0x19: {  	[tilespmem:s17], [sflag:$0x3] =	stream.indirect.gather [hbm4b:s3+s13], $0x20, s16, s13, $0xb8;
	[tilespmem:$0x2E20] =	vst v63  }
0x1a: {  	_ =	swait.ge [sflag:s18], $0xC00  }
0x1b: {  	[sflag:s18] =	ssyncset.done $0x0  }
0x1c: {  	s22 =	sadd.s32 $0x0, s11;
	[sflag:s18] =	ssyncadd.s32 $0xFFFFF400  }
0x1d: {  	[hbm4b:s22+s2] =	stream.linear.scatter [tilespmem:s14], [sflag:$0x4], $0xC00, $0x38;
	[tilespmem:$0x2E20] =	vst v63  }
0x1e: {  	_ =	swait.ge [sflag:s12], $0xC00  }
0x1f: {  	[sflag:s12] =	ssyncset.done $0x0  }
0x20: {  	s28 =	simm.s32 $0x120;
	[sflag:s12] =	ssyncadd.s32 $0xFFFFF400  }
0x21: {  	[tilespmem:s14], [sflag:$0x1] =	stream.indirect.gather [hbm4b:s3+s13], $0x20, s28, s13, $0xb8;
	[tilespmem:$0x2E20] =	vst v63  }
0x22: {  	_ =	swait.ge [sflag:s19], $0xC00  }
0x23: {  	[sflag:s19] =	ssyncset.done $0x0  }
0x24: {  	s29 =	sadd.s32 $0x0, s10;
	[sflag:s19] =	ssyncadd.s32 $0xFFFFF400  }
0x25: {  	[hbm4b:s29+s2] =	stream.linear.scatter [tilespmem:s15], [sflag:$0x4], $0xC00, $0x38;
	[tilespmem:$0x2E20] =	vst v63  }
0x26: {  	_ =	swait.ge [sflag:s12], $0xC00  }
0x27: {  	[sflag:s12] =	ssyncset.done $0x0  }
0x28: {  	s30 =	simm.s32 $0x180;
	[sflag:s12] =	ssyncadd.s32 $0xFFFFF400  }
0x29: {  	[tilespmem:s15], [sflag:$0x2] =	stream.indirect.gather [hbm4b:s3+s13], $0x20, s30, s13, $0xb8;
	[tilespmem:$0x2E20] =	vst v63  }
0x2a: {  	_ =	swait.ge [sflag:s20], $0xC00  }
0x2b: {  	[sflag:s20] =	ssyncset.done $0x0  }
0x2c: {  	s31 =	sadd.s32 $0x0, s9;
	[sflag:s20] =	ssyncadd.s32 $0xFFFFF400  }
0x2d: {  	[hbm4b:s31+s2] =	stream.linear.scatter [tilespmem:s17], [sflag:$0x4], $0xC00, $0x38;
	[tilespmem:$0x2E20] =	vst v63  }
0x2e: {  	_ =	swait.ge [sflag:s12], $0xC00  }
0x2f: {  	[sflag:s12] =	ssyncset.done $0x0  }
0x30: {  	s23 =	simm.s32 $0x1E0;
	s22 =	simm.s32 $0x480;
	[sflag:s12] =	ssyncadd.s32 $0xFFFFF400  }
.LBB2_2:
0x31: {  	[tilespmem:s17], [sflag:$0x3] =	stream.indirect.gather [hbm4b:s3+s13], $0x20, s23, s13, $0xb8;
	[tilespmem:$0x2E20] =	vst v63  }
0x32: {  	s23 =	smov.u32 s22  }
0x33: {  	p0 =	sne.s32 s22, $0x1F80;
	s22 =	sadd.s32 $0x480, s22;
	_ =	swait.ge [sflag:s18], $0xC00  }
0x34: {  	[sflag:s18] =	ssyncset.done $0x0  }
0x35: {  	s24 =	sadd.s32 s23, s11;
	[sflag:s18] =	ssyncadd.s32 $0xFFFFF400  }
0x36: {  	[hbm4b:s24+s2] =	stream.linear.scatter [tilespmem:s14], [sflag:$0x4], $0xC00, $0x38;
	[tilespmem:$0x2E20] =	vst v63  }
0x37: {  	_ =	swait.ge [sflag:s12], $0xC00  }
0x38: {  	s24 =	sshra.s32 s23, $0x2;
	[sflag:s12] =	ssyncset.done $0x0  }
0x39: {  	s25 =	sadd.s32 $0x120, s24;
	[sflag:s12] =	ssyncadd.s32 $0xFFFFF400  }
0x3a: {  	[tilespmem:s14], [sflag:$0x1] =	stream.indirect.gather [hbm4b:s3+s13], $0x20, s25, s13, $0xb8;
	[tilespmem:$0x2E20] =	vst v63  }
0x3b: {  	_ =	swait.ge [sflag:s19], $0xC00  }
0x3c: {  	[sflag:s19] =	ssyncset.done $0x0  }
0x3d: {  	s25 =	sadd.s32 s23, s10;
	[sflag:s19] =	ssyncadd.s32 $0xFFFFF400  }
0x3e: {  	[hbm4b:s25+s2] =	stream.linear.scatter [tilespmem:s15], [sflag:$0x4], $0xC00, $0x38;
	[tilespmem:$0x2E20] =	vst v63  }
0x3f: {  	_ =	swait.ge [sflag:s12], $0xC00  }
0x40: {  	[sflag:s12] =	ssyncset.done $0x0  }
0x41: {  	s25 =	sadd.s32 $0x180, s24;
	[sflag:s12] =	ssyncadd.s32 $0xFFFFF400  }
0x42: {  	[tilespmem:s15], [sflag:$0x2] =	stream.indirect.gather [hbm4b:s3+s13], $0x20, s25, s13, $0xb8;
	[tilespmem:$0x2E20] =	vst v63  }
0x43: {  	_ =	swait.ge [sflag:s20], $0xC00  }
0x44: {  	[sflag:s20] =	ssyncset.done $0x0  }
.Ltmp0:
0x45: {  	s23 =	sadd.s32 s23, s9;
	[sflag:s20] =	ssyncadd.s32 $0xFFFFF400;
	(pc) =	sbr.rel @p0 .LBB2_2-.Ltmp0, $4  }
0x46: {  	[hbm4b:s23+s2] =	stream.linear.scatter [tilespmem:s17], [sflag:$0x4], $0xC00, $0x38;
	[tilespmem:$0x2E20] =	vst v63  }
0x47: {  	_ =	swait.ge [sflag:s12], $0xC00  }
0x48: {  	[sflag:s12] =	ssyncset.done $0x0  }
0x49: {  	s23 =	sadd.s32 $0x1E0, s24;
	[sflag:s12] =	ssyncadd.s32 $0xFFFFF400  }
0x4a: {  	[tilespmem:s17], [sflag:$0x3] =	stream.indirect.gather [hbm4b:s3+s13], $0x20, s23, s13, $0xb8;
	[tilespmem:$0x2E20] =	vst v63  }
0x4b: {  	_ =	swait.ge [sflag:s18], $0xC00  }
0x4c: {  	[sflag:s18] =	ssyncset.done $0x0  }
0x4d: {  	[sflag:s18] =	ssyncadd.s32 $0xFFFFF400  }
0x4e: {  	[hbm4b:s6+s2] =	stream.linear.scatter [tilespmem:s14], [sflag:$0x4], $0xC00, $0x38;
	[tilespmem:$0x2E20] =	vst v63  }
0x4f: {  	_ =	swait.ge [sflag:s12], $0xC00  }
0x50: {  	[sflag:s12] =	ssyncset.done $0x0  }
0x51: {  	[sflag:s12] =	ssyncadd.s32 $0xFFFFF400  }
0x52: {  	_ =	swait.ge [sflag:s19], $0xC00  }
0x53: {  	[sflag:s19] =	ssyncset.done $0x0  }
0x54: {  	[sflag:s19] =	ssyncadd.s32 $0xFFFFF400  }
0x55: {  	[hbm4b:s7+s2] =	stream.linear.scatter [tilespmem:s15], [sflag:$0x4], $0xC00, $0x38;
	[tilespmem:$0x2E20] =	vst v63  }
0x56: {  	_ =	swait.ge [sflag:s12], $0xC00  }
0x57: {  	[sflag:s12] =	ssyncset.done $0x0  }
0x58: {  	[sflag:s12] =	ssyncadd.s32 $0xFFFFF400  }
0x59: {  	s21 =	sadd.s32 $0x1, s21;
	_ =	swait.ge [sflag:s20], $0xC00  }
0x5a: {  	p0 =	sne.s32 s21, s5;
	[sflag:s20] =	ssyncset.done $0x0  }
.Ltmp1:
0x5b: {  	[sflag:s20] =	ssyncadd.s32 $0xFFFFF400;
	(pc) =	sbr.rel @p0 .LBB2_1-.Ltmp1, $4  }
0x5c: {  	[hbm4b:s8+s2] =	stream.linear.scatter [tilespmem:s17], [sflag:$0x4], $0xC00, $0x38;
	[tilespmem:$0x2E20] =	vst v63  }
0x5d: {  	_ =	swait.ge [sflag:s12], $0xC00  }
0x5e: {  	[sflag:s12] =	ssyncset.done $0x0  }
0x5f: {  	[sflag:s12] =	ssyncadd.s32 $0xFFFFF400  }
0x60: {  	_ =	sfence.sel $0x180000  }
0x61: {  	[bflag:$0x0] =	sbarrier.arrive $0xFFFF  }
0x62: {  	p0 =	sne.s32 s0, $0x0;
	_ =	strace $0x90000047  }
0x63: {  	s0 =	sadd.s32 @!p0 $0x100000, s1;
	[bflag:$0x2] =	sbarrier.arrive $0xFFFF  }
0x64: {  	[sflag:s0] =	ssyncadd.tile.s32 @!p0 $0x1;
	_ =	shalt  }
.Lfunc_end2:
_tile_overlayer_lowered:
.L_overlay_start_2:
0x65: {  	(tag) =	ssettag $0x2  }
0x66: {  	s0 =	rddreg [dreg:$0x0];
	s2 =	stileid.u32  }
0x67: {  	s1 =	rddreg [dreg:$0x1];
	p0 =	sne.s32 s2, $0x0  }
0x68: {  	s3 =	rddreg [dreg:$0x2];
	[bflag:$0x3] =	sbarrier.arrive $0xFFFF;
	s2 =	simm.s32 @!p0 $0x1C04  }
0x69: {  	[timem:s3], [sflag:s2] =	dma.local @!p0 [hbm:s0], s1  }
0x6a: {  	s0 =	simm.s32 @!p0 $0x4  }
0x6b: {  	_ =	swait.ge @!p0 [sflag:s0], s1  }
0x6c: {  	s1 =	ssub.s32 @!p0 $0x0, s1;
	[sflag:s0] =	ssyncset.done @!p0 $0x0  }
0x6d: {  	[sflag:s0] =	ssyncadd.s32 @!p0 s1  }
0x6e: {  	[bflag:$0x3] =	sbarrier.arrive $0xFFFF  }
0x6f: {  	_ =	shalt  }

</sc_bundles>
